<compile_context>
chip_gen: v7x
topology: tpu7x:2x2x1
jax: 0.10.2.dev20260603
libtpu: 0.0.44.dev20260713+nightly
codegen_flags: <defaults>
</compile_context>

<pallas_src>
import functools

import jax
import jax.numpy as jnp
from jax import lax
from jax.experimental import pallas as pl
from jax.experimental.pallas import tpu as pltpu
from jax.experimental.pallas import tpu_sc as plsc

ACC_SCALE = 0.02
MAX_VEL = 0.1


def _pick_chunk(per_tile: int, cap: int) -> int:
    best = 8
    for c in range(8, cap + 1, 8):
        if per_tile % c == 0:
            best = c
    return best


def _deg_sc(ei_flat, zeros_n, ones_c, n, e, nc, ns, chunk):
    per_core = e // nc
    per_tile = per_core // ns
    nchunks = per_tile // chunk
    mesh = plsc.VectorSubcoreMesh(core_axis_name="c", subcore_axis_name="s")

    @functools.partial(
        pl.kernel,
        mesh=mesh,
        out_type=[jax.ShapeDtypeStruct((n,), jnp.float32)] * nc,
        scratch_types=[
            pltpu.VMEM((chunk,), jnp.int32),
            pltpu.VMEM((chunk,), jnp.float32),
            pltpu.VMEM_SHARED((n,), jnp.float32),
        ],
    )
    def deg_kernel(ei_hbm, zeros_hbm, ones_hbm, out0, out1, idx_v, ones_v, deg_s):
        c = lax.axis_index("c")
        s = lax.axis_index("s")

        @pl.when(s == 0)
        def _():
            pltpu.sync_copy(zeros_hbm, deg_s)

        pltpu.sync_copy(ones_hbm, ones_v)
        plsc.subcore_barrier()

        base_tile = e + c * per_core + s * per_tile

        @pl.loop(0, nchunks)
        def _(i):
            base = base_tile + i * chunk
            pltpu.sync_copy(ei_hbm.at[pl.ds(base, chunk)], idx_v)
            pltpu.sync_copy(ones_v, deg_s.at[idx_v], add=True)

        plsc.subcore_barrier()

        @pl.when((s == 0) & (c == 0))
        def _():
            pltpu.sync_copy(deg_s, out0)

        @pl.when((s == 0) & (c == 1))
        def _():
            pltpu.sync_copy(deg_s, out1)

    return deg_kernel(ei_flat, zeros_n, ones_c)


def _msg_sc(ei_flat, g0, g1, zeros_n, n, e, nc, ns, chunk):
    per_core = e // nc
    per_tile = per_core // ns
    nchunks = per_tile // chunk
    mesh = plsc.VectorSubcoreMesh(core_axis_name="c", subcore_axis_name="s")

    @functools.partial(
        pl.kernel,
        mesh=mesh,
        out_type=[jax.ShapeDtypeStruct((n,), jnp.float32)] * (2 * nc),
        scratch_types=[
            pltpu.VMEM((chunk,), jnp.int32),
            pltpu.VMEM((chunk,), jnp.int32),
            pltpu.VMEM((chunk,), jnp.float32),
            pltpu.VMEM((chunk,), jnp.float32),
            pltpu.VMEM_SHARED((n,), jnp.float32),
            pltpu.VMEM_SHARED((n,), jnp.float32),
            pltpu.VMEM_SHARED((n,), jnp.float32),
            pltpu.VMEM_SHARED((n,), jnp.float32),
            pltpu.SemaphoreType.DMA,
            pltpu.SemaphoreType.DMA,
        ],
    )
    def msg_kernel(ei_hbm, g0_hbm, g1_hbm, zeros_hbm,
                   o00, o01, o10, o11,
                   idx_s, idx_d, m0, m1, g0_s, g1_s, s0_s, s1_s,
                   sem0, sem1):
        c = lax.axis_index("c")
        s = lax.axis_index("s")

        @pl.when(s == 0)
        def _():
            cp0 = pltpu.async_copy(g0_hbm, g0_s, sem0)
            cp1 = pltpu.async_copy(g1_hbm, g1_s, sem1)
            cp0.wait()
            cp1.wait()
            cp2 = pltpu.async_copy(zeros_hbm, s0_s, sem0)
            cp3 = pltpu.async_copy(zeros_hbm, s1_s, sem1)
            cp2.wait()
            cp3.wait()

        plsc.subcore_barrier()

        base_tile = c * per_core + s * per_tile

        @pl.loop(0, nchunks)
        def _(i):
            base = base_tile + i * chunk
            cpa = pltpu.async_copy(ei_hbm.at[pl.ds(base, chunk)], idx_s, sem0)
            cpb = pltpu.async_copy(ei_hbm.at[pl.ds(e + base, chunk)], idx_d, sem1)
            cpa.wait()
            cpb.wait()
            cpc = pltpu.async_copy(g0_s.at[idx_s], m0, sem0)
            cpd = pltpu.async_copy(g1_s.at[idx_s], m1, sem1)
            cpc.wait()
            cpd.wait()
            cpe = pltpu.async_copy(m0, s0_s.at[idx_d], sem0, add=True)
            cpf = pltpu.async_copy(m1, s1_s.at[idx_d], sem1, add=True)
            cpe.wait()
            cpf.wait()

        plsc.subcore_barrier()

        @pl.when((s == 0) & (c == 0))
        def _():
            pltpu.sync_copy(s0_s, o00)
            pltpu.sync_copy(s1_s, o01)

        @pl.when((s == 0) & (c == 1))
        def _():
            pltpu.sync_copy(s0_s, o10)
            pltpu.sync_copy(s1_s, o11)

    return msg_kernel(ei_flat, g0, g1, zeros_n)


def _prep_tc(cols, d0, d1, w, n):
    def body(c0, c1, c2, c3, c4, d0r, d1r, wr, g0r, g1r, dvr):
        deg = d0r[...] + d1r[...] + 1.0
        dinv = lax.rsqrt(deg)
        xs = (c0[...], c1[...], c2[...], c3[...], c4[...])
        h0 = xs[0] * wr[0, 0]
        h1 = xs[0] * wr[0, 1]
        for k in range(1, 5):
            h0 = h0 + xs[k] * wr[k, 0]
            h1 = h1 + xs[k] * wr[k, 1]
        g0r[...] = h0 * dinv
        g1r[...] = h1 * dinv
        dvr[...] = dinv

    return pl.pallas_call(
        body,
        out_shape=[jax.ShapeDtypeStruct((n,), jnp.float32)] * 3,
        in_specs=[pl.BlockSpec(memory_space=pltpu.VMEM)] * 7
        + [pl.BlockSpec(memory_space=pltpu.SMEM)],
        out_specs=[pl.BlockSpec(memory_space=pltpu.VMEM)] * 3,
    )(*cols, d0, d1, w)


def _epi_tc(cols, dinv, g0, g1, parts, b, n):
    def body(c0, c1, c2, c3, c4, dvr, g0r, g1r, p00, p01, p10, p11, br,
             x0r, x1r, x2r, x3r, vbr, ppr, bcr):
        dinv = dvr[...]
        s0 = p00[...] + p10[...] + g0r[...]
        s1 = p01[...] + p11[...] + g1r[...]
        o0 = dinv * s0 + br[0]
        o1 = dinv * s1 + br[1]
        food = (c4[...] == 1.0).astype(jnp.float32)
        a0 = o0 * ACC_SCALE * food
        a1 = o1 * ACC_SCALE * food
        v0 = jnp.clip(c2[...] + a0, -MAX_VEL, MAX_VEL)
        v1 = jnp.clip(c3[...] + a1, -MAX_VEL, MAX_VEL)
        p0 = c0[...] + v0
        p1 = c1[...] + v1
        x0r[...] = p0
        x1r[...] = p1
        x2r[...] = v0
        x3r[...] = v1
        vbr[0] = jnp.sum(jnp.abs(v0)) / n
        vbr[1] = jnp.sum(jnp.abs(v1)) / n
        ppr[0] = jnp.sum(jnp.abs(p0)) / n
        ppr[1] = jnp.sum(jnp.abs(p1)) / n
        m0 = (jnp.abs(p0) > 1.0).astype(jnp.float32)
        m1 = (jnp.abs(p1) > 1.0).astype(jnp.float32)
        bc = jnp.sum(jnp.log(jnp.abs(p0)) * m0) + jnp.sum(jnp.log(jnp.abs(p1)) * m1)
        bcr[0] = bc

    return pl.pallas_call(
        body,
        out_shape=[
            jax.ShapeDtypeStruct((n,), jnp.float32),
            jax.ShapeDtypeStruct((n,), jnp.float32),
            jax.ShapeDtypeStruct((n,), jnp.float32),
            jax.ShapeDtypeStruct((n,), jnp.float32),
            jax.ShapeDtypeStruct((2,), jnp.float32),
            jax.ShapeDtypeStruct((2,), jnp.float32),
            jax.ShapeDtypeStruct((1,), jnp.float32),
        ],
        in_specs=[pl.BlockSpec(memory_space=pltpu.VMEM)] * 12
        + [pl.BlockSpec(memory_space=pltpu.SMEM)],
        out_specs=[pl.BlockSpec(memory_space=pltpu.VMEM)] * 4
        + [pl.BlockSpec(memory_space=pltpu.SMEM)] * 3,
    )(*cols, dinv, g0, g1, *parts, b)


def kernel(x, edge_index, W, b):
    n = x.shape[0]
    e = edge_index.shape[1]
    info = plsc.get_sparse_core_info()
    nc, ns = info.num_cores, info.num_subcores
    per_tile = e // (nc * ns)
    chunk_deg = _pick_chunk(per_tile, 50000)
    chunk_msg = _pick_chunk(per_tile, 25000)

    ei_flat = edge_index.reshape(2 * e)
    xt = x.T
    cols = tuple(xt[i] for i in range(5))
    zeros_n = jnp.zeros((n,), jnp.float32)
    ones_c = jnp.ones((chunk_deg,), jnp.float32)

    d0, d1 = _deg_sc(ei_flat, zeros_n, ones_c, n, e, nc, ns, chunk_deg)
    g0, g1, dinv = _prep_tc(cols, d0, d1, W, n)
    parts = _msg_sc(ei_flat, g0, g1, zeros_n, n, e, nc, ns, chunk_msg)
    x0, x1, x2, x3, vb, pp, bc = _epi_tc(cols, dinv, g0, g1, parts, b, n)
    x_new = jnp.stack([x0, x1, x2, x3, cols[4]], axis=1)
    return (x_new, vb, pp, bc[0])

# --- scband reference (transcript-rebuilt; emitter-appended) ---
"""Pipeline reference for scband-gnca-68315749810318 (READ-ONLY COPY).

The authoritative reference and input builder live on the scoring server;
editing this copy changes nothing except your own understanding.
"""

import jax, jax.numpy as jnp
import numpy as np

N = 100000
E = 6400000
CH = 5
OUT = 2
ACC_SCALE = 0.02
MAX_VEL = 0.1


def setup_inputs(seed: int = 0) -> dict:
    key = jax.random.key(seed)
    k1, k2, k3, k4, k5 = jax.random.split(key, 5)
    pos = jax.random.uniform(k1, (N, 2), minval=-1.0, maxval=1.0)
    vel = jax.random.uniform(k2, (N, 2), minval=-0.1, maxval=0.1)
    food = (jax.random.uniform(k3, (N, 1)) < 0.5).astype(jnp.float32)
    x = jnp.concatenate([pos, vel, food], axis=1)
    edge_index = jax.random.randint(k4, (2, E), 0, N, dtype=jnp.int32)
    W = jax.random.normal(k5, (CH, OUT), dtype=jnp.float32) * (1.0 / np.sqrt(CH))
    b = jnp.zeros((OUT,), dtype=jnp.float32)
    return {"x": x, "edge_index": edge_index, "W": W, "b": b}


def gcn_conv(x, edge_index, W, b):
    # GCNConv: D^{-1/2} (A + I) D^{-1/2} X W + b
    n = x.shape[0]
    src = edge_index[0]
    dst = edge_index[1]
    loops = jnp.arange(n, dtype=src.dtype)
    src = jnp.concatenate([src, loops])
    dst = jnp.concatenate([dst, loops])
    deg = jnp.zeros((n,), dtype=x.dtype).at[dst].add(1.0)
    dinv = jnp.where(deg > 0, 1.0 / jnp.sqrt(deg), 0.0)
    h = x @ W
    coef = (dinv[src] * dinv[dst])[:, None]
    msg = h[src] * coef
    out = jnp.zeros((n, h.shape[1]), dtype=x.dtype).at[dst].add(msg)
    return out + b


def reference(x, edge_index, W, b):
    # single GNCA update step (time_steps=1); edges provided directly
    food_mask = (x[:, 4] == 1.0).astype(jnp.float32)
    acceleration = gcn_conv(x, edge_index, W, b) * ACC_SCALE
    acceleration = acceleration * jnp.stack((food_mask, food_mask), axis=1)
    velocity = jnp.clip(x[:, 2:4] + acceleration, -MAX_VEL, MAX_VEL)
    positions = x[:, :2] + velocity
    x_new = x.at[:, 2:4].set(velocity).at[:, :2].set(positions)
    maskX = (jnp.abs(x_new[:, 0]) > 1).astype(jnp.float32)
    maskY = (jnp.abs(x_new[:, 1]) > 1).astype(jnp.float32)
    border_costX = jnp.log(jnp.abs(x_new[:, 0])) * maskX
    border_costY = jnp.log(jnp.abs(x_new[:, 1])) * maskY
    border_cost = border_costX.sum() + border_costY.sum()
    velocity_bonus = jnp.abs(velocity).mean(axis=0)
    position_penalty = jnp.abs(positions).mean(axis=0)
    return (x_new, velocity_bonus, position_penalty, border_cost)

if __name__ == "__main__":
    import jax
    _d = setup_inputs()
    print(jax.jit(kernel)(*tuple(_d.values())))

</pallas_src>

<mosaic_0001>
#map = affine_map<(d0, d1) -> (0)>
module attributes {stable_mosaic.version = 14 : i64} {
  func.func @deg_kernel(%arg0: i32, %arg1: i32, %arg2: memref<12800000xi32, #tpu.memory_space<hbm>>, %arg3: memref<100000xf32, #tpu.memory_space<hbm>>, %arg4: memref<50000xf32, #tpu.memory_space<hbm>>, %arg5: memref<100000xf32, #tpu.memory_space<hbm>>, %arg6: memref<100000xf32, #tpu.memory_space<hbm>>, %arg7: memref<50000xi32, #tpu.memory_space<vmem>>, %arg8: memref<50000xf32, #tpu.memory_space<vmem>>, %arg9: memref<100000xf32, #tpu.memory_space<vmem_shared>>) attributes {dimension_semantics = [#tpu.dimension_semantics<core_parallel>, #tpu.dimension_semantics<subcore_parallel>], iteration_bounds = array<i64: 2, 16>, scalar_prefetch = 0 : i64, scratch_operands = 3 : i64, tpu.core_type = #tpu.core_type<sc_vector_subcore>, window_params = [{transform_indices = #map}, {transform_indices = #map}, {transform_indices = #map}, {transform_indices = #map}, {transform_indices = #map}]} {
    %eq3A = arith.constant 0 : i32
    %eq3A_0 = arith.cmpi eq, %arg1, %eq3A : i32
    %convert_element_type3A = arith.extui %eq3A_0 : i1 to i32
    %cond3A = arith.constant 0 : i32
    %cond3A_1 = arith.cmpi ne, %convert_element_type3A, %cond3A : i32
    scf.if %cond3A_1 {
      "tpu.region"() ({
        %run_scoped3A = tpu.sem_alloc : memref<!tpu.dma_semaphore, #tpu.memory_space<semaphore_mem>>
        tpu.enqueue_dma source(%arg3 : memref<100000xf32, #tpu.memory_space<hbm>>) target(%arg9 : memref<100000xf32, #tpu.memory_space<vmem_shared>>) target_semaphore(%run_scoped3A : memref<!tpu.dma_semaphore, #tpu.memory_space<semaphore_mem>>)
        tpu.wait_dma2 semaphore(%run_scoped3A : memref<!tpu.dma_semaphore, #tpu.memory_space<semaphore_mem>>) src(%arg3 : memref<100000xf32, #tpu.memory_space<hbm>>) dst(%arg9 : memref<100000xf32, #tpu.memory_space<vmem_shared>>)
        tpu.yield
      }) : () -> ()
    } else {
    }
    "tpu.region"() ({
      %run_scoped3A = tpu.sem_alloc : memref<!tpu.dma_semaphore, #tpu.memory_space<semaphore_mem>>
      tpu.enqueue_dma source(%arg4 : memref<50000xf32, #tpu.memory_space<hbm>>) target(%arg8 : memref<50000xf32, #tpu.memory_space<vmem>>) target_semaphore(%run_scoped3A : memref<!tpu.dma_semaphore, #tpu.memory_space<semaphore_mem>>)
      tpu.wait_dma2 semaphore(%run_scoped3A : memref<!tpu.dma_semaphore, #tpu.memory_space<semaphore_mem>>) src(%arg4 : memref<50000xf32, #tpu.memory_space<hbm>>) dst(%arg8 : memref<50000xf32, #tpu.memory_space<vmem>>)
      tpu.yield
    }) : () -> ()
    %barrier3A = arith.constant 0 : index
    tpu.barrier barrier_id(%barrier3A)
    %mul3A = arith.constant 3200000 : i32
    %mul3A_2 = arith.muli %arg0, %mul3A : i32
    %add3A = arith.constant 6400000 : i32
    %add3A_3 = arith.addi %add3A, %mul3A_2 : i32
    %mul3A_4 = arith.constant 200000 : i32
    %mul3A_5 = arith.muli %arg1, %mul3A_4 : i32
    %add3A_6 = arith.addi %add3A_3, %mul3A_5 : i32
    %scan3A = arith.constant 0 : i32
    %scan3A_7 = arith.constant 4 : i32
    %scan3A_8 = arith.addi %scan3A, %scan3A_7 : i32
    %scan3A_9 = arith.constant 1 : i32
    scf.for %scan3A_27 = %scan3A to %scan3A_8 step %scan3A_9  : i32 {
      %mul3A_28 = arith.constant 1 : i32
      %mul3A_29 = arith.muli %scan3A_27, %mul3A_28 : i32
      %add3A_30 = arith.constant 0 : i32
      %add3A_31 = arith.addi %add3A_30, %mul3A_29 : i32
      %mul3A_32 = arith.constant 50000 : i32
      %mul3A_33 = arith.muli %add3A_31, %mul3A_32 : i32
      %add3A_34 = arith.addi %add3A_6, %mul3A_33 : i32
      "tpu.region"() ({
        %run_scoped3A = tpu.sem_alloc : memref<!tpu.dma_semaphore, #tpu.memory_space<semaphore_mem>>
        %dma_start3A = tpu.memref_slice %arg2[%add3A_34] : memref<12800000xi32, #tpu.memory_space<hbm>> -> memref<50000xi32, #tpu.memory_space<hbm>>
        %dma_start3A_35 = tpu.memref_slice %arg2[%add3A_34] : memref<12800000xi32, #tpu.memory_space<hbm>> -> memref<50000xi32, #tpu.memory_space<hbm>>
        tpu.enqueue_dma source(%dma_start3A_35 : memref<50000xi32, #tpu.memory_space<hbm>>) target(%arg7 : memref<50000xi32, #tpu.memory_space<vmem>>) target_semaphore(%run_scoped3A : memref<!tpu.dma_semaphore, #tpu.memory_space<semaphore_mem>>)
        %dma_wait3A = tpu.memref_slice %arg2[%add3A_34] : memref<12800000xi32, #tpu.memory_space<hbm>> -> memref<50000xi32, #tpu.memory_space<hbm>>
        %dma_wait3A_36 = tpu.memref_slice %arg2[%add3A_34] : memref<12800000xi32, #tpu.memory_space<hbm>> -> memref<50000xi32, #tpu.memory_space<hbm>>
        tpu.wait_dma2 semaphore(%run_scoped3A : memref<!tpu.dma_semaphore, #tpu.memory_space<semaphore_mem>>) src(%dma_wait3A_36 : memref<50000xi32, #tpu.memory_space<hbm>>) dst(%arg7 : memref<50000xi32, #tpu.memory_space<vmem>>)
        tpu.yield
      }) : () -> ()
      "tpu.region"() ({
        %run_scoped3A = tpu.sem_alloc : memref<!tpu.dma_semaphore, #tpu.memory_space<semaphore_mem>>
        %dma_start3A = arith.constant 0 : i32
        %dma_start3A_35 = tpu.memref_slice %arg9[%dma_start3A] : memref<100000xf32, #tpu.memory_space<vmem_shared>> -> memref<100000xf32, #tpu.memory_space<vmem_shared>>
        tpu.enqueue_indirect_dma source(%arg8 : memref<50000xf32, #tpu.memory_space<vmem>>) target(%dma_start3A_35 : memref<100000xf32, #tpu.memory_space<vmem_shared>>) offsets(%arg7 : memref<50000xi32, #tpu.memory_space<vmem>>) semaphore(%run_scoped3A : memref<!tpu.dma_semaphore, #tpu.memory_space<semaphore_mem>>) {add = true}
        %dma_wait3A = arith.constant 0 : i32
        %dma_wait3A_36 = tpu.memref_slice %arg9[%dma_wait3A] : memref<100000xf32, #tpu.memory_space<vmem_shared>> -> memref<100000xf32, #tpu.memory_space<vmem_shared>>
        tpu.wait_indirect_dma semaphore(%run_scoped3A : memref<!tpu.dma_semaphore, #tpu.memory_space<semaphore_mem>>) src(%arg8 : memref<50000xf32, #tpu.memory_space<vmem>>) dst(%dma_wait3A_36 : memref<100000xf32, #tpu.memory_space<vmem_shared>>)
        tpu.yield
      }) : () -> ()
    }
    %scan3A_10 = arith.constant 4 : i32
    %barrier3A_11 = arith.constant 0 : index
    tpu.barrier barrier_id(%barrier3A_11)
    %eq3A_12 = arith.constant 0 : i32
    %eq3A_13 = arith.cmpi eq, %arg1, %eq3A_12 : i32
    %eq3A_14 = arith.constant 0 : i32
    %eq3A_15 = arith.cmpi eq, %arg0, %eq3A_14 : i32
    %and3A = arith.andi %eq3A_13, %eq3A_15 : i1
    %convert_element_type3A_16 = arith.extui %and3A : i1 to i32
    %cond3A_17 = arith.constant 0 : i32
    %cond3A_18 = arith.cmpi ne, %convert_element_type3A_16, %cond3A_17 : i32
    scf.if %cond3A_18 {
      "tpu.region"() ({
        %run_scoped3A = tpu.sem_alloc : memref<!tpu.dma_semaphore, #tpu.memory_space<semaphore_mem>>
        tpu.enqueue_dma source(%arg9 : memref<100000xf32, #tpu.memory_space<vmem_shared>>) target(%arg5 : memref<100000xf32, #tpu.memory_space<hbm>>) target_semaphore(%run_scoped3A : memref<!tpu.dma_semaphore, #tpu.memory_space<semaphore_mem>>)
        tpu.wait_dma2 semaphore(%run_scoped3A : memref<!tpu.dma_semaphore, #tpu.memory_space<semaphore_mem>>) src(%arg9 : memref<100000xf32, #tpu.memory_space<vmem_shared>>) dst(%arg5 : memref<100000xf32, #tpu.memory_space<hbm>>)
        tpu.yield
      }) : () -> ()
    } else {
    }
    %eq3A_19 = arith.constant 0 : i32
    %eq3A_20 = arith.cmpi eq, %arg1, %eq3A_19 : i32
    %eq3A_21 = arith.constant 1 : i32
    %eq3A_22 = arith.cmpi eq, %arg0, %eq3A_21 : i32
    %and3A_23 = arith.andi %eq3A_20, %eq3A_22 : i1
    %convert_element_type3A_24 = arith.extui %and3A_23 : i1 to i32
    %cond3A_25 = arith.constant 0 : i32
    %cond3A_26 = arith.cmpi ne, %convert_element_type3A_24, %cond3A_25 : i32
    scf.if %cond3A_26 {
      "tpu.region"() ({
        %run_scoped3A = tpu.sem_alloc : memref<!tpu.dma_semaphore, #tpu.memory_space<semaphore_mem>>
        tpu.enqueue_dma source(%arg9 : memref<100000xf32, #tpu.memory_space<vmem_shared>>) target(%arg6 : memref<100000xf32, #tpu.memory_space<hbm>>) target_semaphore(%run_scoped3A : memref<!tpu.dma_semaphore, #tpu.memory_space<semaphore_mem>>)
        tpu.wait_dma2 semaphore(%run_scoped3A : memref<!tpu.dma_semaphore, #tpu.memory_space<semaphore_mem>>) src(%arg9 : memref<100000xf32, #tpu.memory_space<vmem_shared>>) dst(%arg6 : memref<100000xf32, #tpu.memory_space<hbm>>)
        tpu.yield
      }) : () -> ()
    } else {
    }
    return
  }
}

#map = affine_map<(d0, d1) -> (0)>
module attributes {stable_mosaic.version = 14 : i64} {
  func.func @msg_kernel(%arg0: i32, %arg1: i32, %arg2: memref<12800000xi32, #tpu.memory_space<hbm>>, %arg3: memref<100000xf32, #tpu.memory_space<hbm>>, %arg4: memref<100000xf32, #tpu.memory_space<hbm>>, %arg5: memref<100000xf32, #tpu.memory_space<hbm>>, %arg6: memref<100000xf32, #tpu.memory_space<hbm>>, %arg7: memref<100000xf32, #tpu.memory_space<hbm>>, %arg8: memref<100000xf32, #tpu.memory_space<hbm>>, %arg9: memref<100000xf32, #tpu.memory_space<hbm>>, %arg10: memref<25000xi32, #tpu.memory_space<vmem>>, %arg11: memref<25000xi32, #tpu.memory_space<vmem>>, %arg12: memref<25000xf32, #tpu.memory_space<vmem>>, %arg13: memref<25000xf32, #tpu.memory_space<vmem>>, %arg14: memref<100000xf32, #tpu.memory_space<vmem_shared>>, %arg15: memref<100000xf32, #tpu.memory_space<vmem_shared>>, %arg16: memref<100000xf32, #tpu.memory_space<vmem_shared>>, %arg17: memref<100000xf32, #tpu.memory_space<vmem_shared>>, %arg18: memref<!tpu.dma_semaphore, #tpu.memory_space<semaphore_mem>>, %arg19: memref<!tpu.dma_semaphore, #tpu.memory_space<semaphore_mem>>) attributes {dimension_semantics = [#tpu.dimension_semantics<core_parallel>, #tpu.dimension_semantics<subcore_parallel>], iteration_bounds = array<i64: 2, 16>, scalar_prefetch = 0 : i64, scratch_operands = 10 : i64, tpu.core_type = #tpu.core_type<sc_vector_subcore>, window_params = [{transform_indices = #map}, {transform_indices = #map}, {transform_indices = #map}, {transform_indices = #map}, {transform_indices = #map}, {transform_indices = #map}, {transform_indices = #map}, {transform_indices = #map}]} {
    %eq3A = arith.constant 0 : i32
    %eq3A_0 = arith.cmpi eq, %arg1, %eq3A : i32
    %convert_element_type3A = arith.extui %eq3A_0 : i1 to i32
    %cond3A = arith.constant 0 : i32
    %cond3A_1 = arith.cmpi ne, %convert_element_type3A, %cond3A : i32
    scf.if %cond3A_1 {
      tpu.enqueue_dma source(%arg3 : memref<100000xf32, #tpu.memory_space<hbm>>) target(%arg14 : memref<100000xf32, #tpu.memory_space<vmem_shared>>) target_semaphore(%arg18 : memref<!tpu.dma_semaphore, #tpu.memory_space<semaphore_mem>>)
      tpu.enqueue_dma source(%arg4 : memref<100000xf32, #tpu.memory_space<hbm>>) target(%arg15 : memref<100000xf32, #tpu.memory_space<vmem_shared>>) target_semaphore(%arg19 : memref<!tpu.dma_semaphore, #tpu.memory_space<semaphore_mem>>)
      tpu.wait_dma2 semaphore(%arg18 : memref<!tpu.dma_semaphore, #tpu.memory_space<semaphore_mem>>) src(%arg3 : memref<100000xf32, #tpu.memory_space<hbm>>) dst(%arg14 : memref<100000xf32, #tpu.memory_space<vmem_shared>>)
      tpu.wait_dma2 semaphore(%arg19 : memref<!tpu.dma_semaphore, #tpu.memory_space<semaphore_mem>>) src(%arg4 : memref<100000xf32, #tpu.memory_space<hbm>>) dst(%arg15 : memref<100000xf32, #tpu.memory_space<vmem_shared>>)
      tpu.enqueue_dma source(%arg5 : memref<100000xf32, #tpu.memory_space<hbm>>) target(%arg16 : memref<100000xf32, #tpu.memory_space<vmem_shared>>) target_semaphore(%arg18 : memref<!tpu.dma_semaphore, #tpu.memory_space<semaphore_mem>>)
      tpu.enqueue_dma source(%arg5 : memref<100000xf32, #tpu.memory_space<hbm>>) target(%arg17 : memref<100000xf32, #tpu.memory_space<vmem_shared>>) target_semaphore(%arg19 : memref<!tpu.dma_semaphore, #tpu.memory_space<semaphore_mem>>)
      tpu.wait_dma2 semaphore(%arg18 : memref<!tpu.dma_semaphore, #tpu.memory_space<semaphore_mem>>) src(%arg5 : memref<100000xf32, #tpu.memory_space<hbm>>) dst(%arg16 : memref<100000xf32, #tpu.memory_space<vmem_shared>>)
      tpu.wait_dma2 semaphore(%arg19 : memref<!tpu.dma_semaphore, #tpu.memory_space<semaphore_mem>>) src(%arg5 : memref<100000xf32, #tpu.memory_space<hbm>>) dst(%arg17 : memref<100000xf32, #tpu.memory_space<vmem_shared>>)
    } else {
    }
    %barrier3A = arith.constant 0 : index
    tpu.barrier barrier_id(%barrier3A)
    %mul3A = arith.constant 3200000 : i32
    %mul3A_2 = arith.muli %arg0, %mul3A : i32
    %mul3A_3 = arith.constant 200000 : i32
    %mul3A_4 = arith.muli %arg1, %mul3A_3 : i32
    %add3A = arith.addi %mul3A_2, %mul3A_4 : i32
    %scan3A = arith.constant 0 : i32
    %scan3A_5 = arith.constant 8 : i32
    %scan3A_6 = arith.addi %scan3A, %scan3A_5 : i32
    %scan3A_7 = arith.constant 1 : i32
    scf.for %scan3A_25 = %scan3A to %scan3A_6 step %scan3A_7  : i32 {
      %mul3A_26 = arith.constant 1 : i32
      %mul3A_27 = arith.muli %scan3A_25, %mul3A_26 : i32
      %add3A_28 = arith.constant 0 : i32
      %add3A_29 = arith.addi %add3A_28, %mul3A_27 : i32
      %mul3A_30 = arith.constant 25000 : i32
      %mul3A_31 = arith.muli %add3A_29, %mul3A_30 : i32
      %add3A_32 = arith.addi %add3A, %mul3A_31 : i32
      %dma_start3A = tpu.memref_slice %arg2[%add3A_32] : memref<12800000xi32, #tpu.memory_space<hbm>> -> memref<25000xi32, #tpu.memory_space<hbm>>
      %dma_start3A_33 = tpu.memref_slice %arg2[%add3A_32] : memref<12800000xi32, #tpu.memory_space<hbm>> -> memref<25000xi32, #tpu.memory_space<hbm>>
      tpu.enqueue_dma source(%dma_start3A_33 : memref<25000xi32, #tpu.memory_space<hbm>>) target(%arg10 : memref<25000xi32, #tpu.memory_space<vmem>>) target_semaphore(%arg18 : memref<!tpu.dma_semaphore, #tpu.memory_space<semaphore_mem>>)
      %add3A_34 = arith.constant 6400000 : i32
      %add3A_35 = arith.addi %add3A_34, %add3A_32 : i32
      %dma_start3A_36 = tpu.memref_slice %arg2[%add3A_35] : memref<12800000xi32, #tpu.memory_space<hbm>> -> memref<25000xi32, #tpu.memory_space<hbm>>
      %dma_start3A_37 = tpu.memref_slice %arg2[%add3A_35] : memref<12800000xi32, #tpu.memory_space<hbm>> -> memref<25000xi32, #tpu.memory_space<hbm>>
      tpu.enqueue_dma source(%dma_start3A_37 : memref<25000xi32, #tpu.memory_space<hbm>>) target(%arg11 : memref<25000xi32, #tpu.memory_space<vmem>>) target_semaphore(%arg19 : memref<!tpu.dma_semaphore, #tpu.memory_space<semaphore_mem>>)
      %dma_wait3A = tpu.memref_slice %arg2[%add3A_32] : memref<12800000xi32, #tpu.memory_space<hbm>> -> memref<25000xi32, #tpu.memory_space<hbm>>
      %dma_wait3A_38 = tpu.memref_slice %arg2[%add3A_32] : memref<12800000xi32, #tpu.memory_space<hbm>> -> memref<25000xi32, #tpu.memory_space<hbm>>
      tpu.wait_dma2 semaphore(%arg18 : memref<!tpu.dma_semaphore, #tpu.memory_space<semaphore_mem>>) src(%dma_wait3A_38 : memref<25000xi32, #tpu.memory_space<hbm>>) dst(%arg10 : memref<25000xi32, #tpu.memory_space<vmem>>)
      %dma_wait3A_39 = tpu.memref_slice %arg2[%add3A_35] : memref<12800000xi32, #tpu.memory_space<hbm>> -> memref<25000xi32, #tpu.memory_space<hbm>>
      %dma_wait3A_40 = tpu.memref_slice %arg2[%add3A_35] : memref<12800000xi32, #tpu.memory_space<hbm>> -> memref<25000xi32, #tpu.memory_space<hbm>>
      tpu.wait_dma2 semaphore(%arg19 : memref<!tpu.dma_semaphore, #tpu.memory_space<semaphore_mem>>) src(%dma_wait3A_40 : memref<25000xi32, #tpu.memory_space<hbm>>) dst(%arg11 : memref<25000xi32, #tpu.memory_space<vmem>>)
      %dma_start3A_41 = arith.constant 0 : i32
      %dma_start3A_42 = tpu.memref_slice %arg14[%dma_start3A_41] : memref<100000xf32, #tpu.memory_space<vmem_shared>> -> memref<100000xf32, #tpu.memory_space<vmem_shared>>
      tpu.enqueue_indirect_dma source(%dma_start3A_42 : memref<100000xf32, #tpu.memory_space<vmem_shared>>) target(%arg12 : memref<25000xf32, #tpu.memory_space<vmem>>) offsets(%arg10 : memref<25000xi32, #tpu.memory_space<vmem>>) semaphore(%arg18 : memref<!tpu.dma_semaphore, #tpu.memory_space<semaphore_mem>>)
      %dma_start3A_43 = arith.constant 0 : i32
      %dma_start3A_44 = tpu.memref_slice %arg15[%dma_start3A_43] : memref<100000xf32, #tpu.memory_space<vmem_shared>> -> memref<100000xf32, #tpu.memory_space<vmem_shared>>
      tpu.enqueue_indirect_dma source(%dma_start3A_44 : memref<100000xf32, #tpu.memory_space<vmem_shared>>) target(%arg13 : memref<25000xf32, #tpu.memory_space<vmem>>) offsets(%arg10 : memref<25000xi32, #tpu.memory_space<vmem>>) semaphore(%arg19 : memref<!tpu.dma_semaphore, #tpu.memory_space<semaphore_mem>>)
      %dma_wait3A_45 = arith.constant 0 : i32
      %dma_wait3A_46 = tpu.memref_slice %arg14[%dma_wait3A_45] : memref<100000xf32, #tpu.memory_space<vmem_shared>> -> memref<100000xf32, #tpu.memory_space<vmem_shared>>
      tpu.wait_indirect_dma semaphore(%arg18 : memref<!tpu.dma_semaphore, #tpu.memory_space<semaphore_mem>>) src(%dma_wait3A_46 : memref<100000xf32, #tpu.memory_space<vmem_shared>>) dst(%arg12 : memref<25000xf32, #tpu.memory_space<vmem>>)
      %dma_wait3A_47 = arith.constant 0 : i32
      %dma_wait3A_48 = tpu.memref_slice %arg15[%dma_wait3A_47] : memref<100000xf32, #tpu.memory_space<vmem_shared>> -> memref<100000xf32, #tpu.memory_space<vmem_shared>>
      tpu.wait_indirect_dma semaphore(%arg19 : memref<!tpu.dma_semaphore, #tpu.memory_space<semaphore_mem>>) src(%dma_wait3A_48 : memref<100000xf32, #tpu.memory_space<vmem_shared>>) dst(%arg13 : memref<25000xf32, #tpu.memory_space<vmem>>)
      %dma_start3A_49 = arith.constant 0 : i32
      %dma_start3A_50 = tpu.memref_slice %arg16[%dma_start3A_49] : memref<100000xf32, #tpu.memory_space<vmem_shared>> -> memref<100000xf32, #tpu.memory_space<vmem_shared>>
      tpu.enqueue_indirect_dma source(%arg12 : memref<25000xf32, #tpu.memory_space<vmem>>) target(%dma_start3A_50 : memref<100000xf32, #tpu.memory_space<vmem_shared>>) offsets(%arg11 : memref<25000xi32, #tpu.memory_space<vmem>>) semaphore(%arg18 : memref<!tpu.dma_semaphore, #tpu.memory_space<semaphore_mem>>) {add = true}
      %dma_start3A_51 = arith.constant 0 : i32
      %dma_start3A_52 = tpu.memref_slice %arg17[%dma_start3A_51] : memref<100000xf32, #tpu.memory_space<vmem_shared>> -> memref<100000xf32, #tpu.memory_space<vmem_shared>>
      tpu.enqueue_indirect_dma source(%arg13 : memref<25000xf32, #tpu.memory_space<vmem>>) target(%dma_start3A_52 : memref<100000xf32, #tpu.memory_space<vmem_shared>>) offsets(%arg11 : memref<25000xi32, #tpu.memory_space<vmem>>) semaphore(%arg19 : memref<!tpu.dma_semaphore, #tpu.memory_space<semaphore_mem>>) {add = true}
      %dma_wait3A_53 = arith.constant 0 : i32
      %dma_wait3A_54 = tpu.memref_slice %arg16[%dma_wait3A_53] : memref<100000xf32, #tpu.memory_space<vmem_shared>> -> memref<100000xf32, #tpu.memory_space<vmem_shared>>
      tpu.wait_indirect_dma semaphore(%arg18 : memref<!tpu.dma_semaphore, #tpu.memory_space<semaphore_mem>>) src(%arg12 : memref<25000xf32, #tpu.memory_space<vmem>>) dst(%dma_wait3A_54 : memref<100000xf32, #tpu.memory_space<vmem_shared>>)
      %dma_wait3A_55 = arith.constant 0 : i32
      %dma_wait3A_56 = tpu.memref_slice %arg17[%dma_wait3A_55] : memref<100000xf32, #tpu.memory_space<vmem_shared>> -> memref<100000xf32, #tpu.memory_space<vmem_shared>>
      tpu.wait_indirect_dma semaphore(%arg19 : memref<!tpu.dma_semaphore, #tpu.memory_space<semaphore_mem>>) src(%arg13 : memref<25000xf32, #tpu.memory_space<vmem>>) dst(%dma_wait3A_56 : memref<100000xf32, #tpu.memory_space<vmem_shared>>)
    }
    %scan3A_8 = arith.constant 8 : i32
    %barrier3A_9 = arith.constant 0 : index
    tpu.barrier barrier_id(%barrier3A_9)
    %eq3A_10 = arith.constant 0 : i32
    %eq3A_11 = arith.cmpi eq, %arg1, %eq3A_10 : i32
    %eq3A_12 = arith.constant 0 : i32
    %eq3A_13 = arith.cmpi eq, %arg0, %eq3A_12 : i32
    %and3A = arith.andi %eq3A_11, %eq3A_13 : i1
    %convert_element_type3A_14 = arith.extui %and3A : i1 to i32
    %cond3A_15 = arith.constant 0 : i32
    %cond3A_16 = arith.cmpi ne, %convert_element_type3A_14, %cond3A_15 : i32
    scf.if %cond3A_16 {
      "tpu.region"() ({
        %run_scoped3A = tpu.sem_alloc : memref<!tpu.dma_semaphore, #tpu.memory_space<semaphore_mem>>
        tpu.enqueue_dma source(%arg16 : memref<100000xf32, #tpu.memory_space<vmem_shared>>) target(%arg6 : memref<100000xf32, #tpu.memory_space<hbm>>) target_semaphore(%run_scoped3A : memref<!tpu.dma_semaphore, #tpu.memory_space<semaphore_mem>>)
        tpu.wait_dma2 semaphore(%run_scoped3A : memref<!tpu.dma_semaphore, #tpu.memory_space<semaphore_mem>>) src(%arg16 : memref<100000xf32, #tpu.memory_space<vmem_shared>>) dst(%arg6 : memref<100000xf32, #tpu.memory_space<hbm>>)
        tpu.yield
      }) : () -> ()
      "tpu.region"() ({
        %run_scoped3A = tpu.sem_alloc : memref<!tpu.dma_semaphore, #tpu.memory_space<semaphore_mem>>
        tpu.enqueue_dma source(%arg17 : memref<100000xf32, #tpu.memory_space<vmem_shared>>) target(%arg7 : memref<100000xf32, #tpu.memory_space<hbm>>) target_semaphore(%run_scoped3A : memref<!tpu.dma_semaphore, #tpu.memory_space<semaphore_mem>>)
        tpu.wait_dma2 semaphore(%run_scoped3A : memref<!tpu.dma_semaphore, #tpu.memory_space<semaphore_mem>>) src(%arg17 : memref<100000xf32, #tpu.memory_space<vmem_shared>>) dst(%arg7 : memref<100000xf32, #tpu.memory_space<hbm>>)
        tpu.yield
      }) : () -> ()
    } else {
    }
    %eq3A_17 = arith.constant 0 : i32
    %eq3A_18 = arith.cmpi eq, %arg1, %eq3A_17 : i32
    %eq3A_19 = arith.constant 1 : i32
    %eq3A_20 = arith.cmpi eq, %arg0, %eq3A_19 : i32
    %and3A_21 = arith.andi %eq3A_18, %eq3A_20 : i1
    %convert_element_type3A_22 = arith.extui %and3A_21 : i1 to i32
    %cond3A_23 = arith.constant 0 : i32
    %cond3A_24 = arith.cmpi ne, %convert_element_type3A_22, %cond3A_23 : i32
    scf.if %cond3A_24 {
      "tpu.region"() ({
        %run_scoped3A = tpu.sem_alloc : memref<!tpu.dma_semaphore, #tpu.memory_space<semaphore_mem>>
        tpu.enqueue_dma source(%arg16 : memref<100000xf32, #tpu.memory_space<vmem_shared>>) target(%arg8 : memref<100000xf32, #tpu.memory_space<hbm>>) target_semaphore(%run_scoped3A : memref<!tpu.dma_semaphore, #tpu.memory_space<semaphore_mem>>)
        tpu.wait_dma2 semaphore(%run_scoped3A : memref<!tpu.dma_semaphore, #tpu.memory_space<semaphore_mem>>) src(%arg16 : memref<100000xf32, #tpu.memory_space<vmem_shared>>) dst(%arg8 : memref<100000xf32, #tpu.memory_space<hbm>>)
        tpu.yield
      }) : () -> ()
      "tpu.region"() ({
        %run_scoped3A = tpu.sem_alloc : memref<!tpu.dma_semaphore, #tpu.memory_space<semaphore_mem>>
        tpu.enqueue_dma source(%arg17 : memref<100000xf32, #tpu.memory_space<vmem_shared>>) target(%arg9 : memref<100000xf32, #tpu.memory_space<hbm>>) target_semaphore(%run_scoped3A : memref<!tpu.dma_semaphore, #tpu.memory_space<semaphore_mem>>)
        tpu.wait_dma2 semaphore(%run_scoped3A : memref<!tpu.dma_semaphore, #tpu.memory_space<semaphore_mem>>) src(%arg17 : memref<100000xf32, #tpu.memory_space<vmem_shared>>) dst(%arg9 : memref<100000xf32, #tpu.memory_space<hbm>>)
        tpu.yield
      }) : () -> ()
    } else {
    }
    return
  }
}

module attributes {stable_mosaic.version = 14 : i64} {
  func.func @body(%arg0: memref<100000xf32, #tpu.memory_space<vmem>>, %arg1: memref<100000xf32, #tpu.memory_space<vmem>>, %arg2: memref<100000xf32, #tpu.memory_space<vmem>>, %arg3: memref<100000xf32, #tpu.memory_space<vmem>>, %arg4: memref<100000xf32, #tpu.memory_space<vmem>>, %arg5: memref<100000xf32, #tpu.memory_space<vmem>>, %arg6: memref<100000xf32, #tpu.memory_space<vmem>>, %arg7: memref<5x2xf32, #tpu.memory_space<smem>>, %arg8: memref<100000xf32, #tpu.memory_space<vmem>>, %arg9: memref<100000xf32, #tpu.memory_space<vmem>>, %arg10: memref<100000xf32, #tpu.memory_space<vmem>>) attributes {dimension_semantics = [], scalar_prefetch = 0 : i64, scratch_operands = 0 : i64, tpu.core_type = #tpu.core_type<tc>} {
    %get3A = arith.constant 0 : index
    %get3A_0 = vector.load %arg5[%get3A] : memref<100000xf32, #tpu.memory_space<vmem>>, vector<100000xf32>
    %get3A_1 = arith.constant 0 : index
    %get3A_2 = vector.load %arg6[%get3A_1] : memref<100000xf32, #tpu.memory_space<vmem>>, vector<100000xf32>
    %add3A = arith.addf %get3A_0, %get3A_2 : vector<100000xf32>
    %add3A_3 = arith.constant 1.000000e+00 : f32
    %add3A_4 = vector.broadcast %add3A_3 : f32 to vector<100000xf32>
    %add3A_5 = arith.addf %add3A, %add3A_4 : vector<100000xf32>
    %rsqrt3A = math.rsqrt %add3A_5 : vector<100000xf32>
    %get3A_6 = arith.constant 0 : index
    %get3A_7 = vector.load %arg0[%get3A_6] : memref<100000xf32, #tpu.memory_space<vmem>>, vector<100000xf32>
    %get3A_8 = arith.constant 0 : index
    %get3A_9 = vector.load %arg1[%get3A_8] : memref<100000xf32, #tpu.memory_space<vmem>>, vector<100000xf32>
    %get3A_10 = arith.constant 0 : index
    %get3A_11 = vector.load %arg2[%get3A_10] : memref<100000xf32, #tpu.memory_space<vmem>>, vector<100000xf32>
    %get3A_12 = arith.constant 0 : index
    %get3A_13 = vector.load %arg3[%get3A_12] : memref<100000xf32, #tpu.memory_space<vmem>>, vector<100000xf32>
    %get3A_14 = arith.constant 0 : index
    %get3A_15 = vector.load %arg4[%get3A_14] : memref<100000xf32, #tpu.memory_space<vmem>>, vector<100000xf32>
    %get3A_16 = arith.constant 0 : index
    %get3A_17 = arith.constant 0 : index
    %get3A_18 = memref.load %arg7[%get3A_16, %get3A_17] : memref<5x2xf32, #tpu.memory_space<smem>>
    %mul3A = vector.broadcast %get3A_18 : f32 to vector<100000xf32>
    %mul3A_19 = arith.mulf %get3A_7, %mul3A : vector<100000xf32>
    %get3A_20 = arith.constant 0 : index
    %get3A_21 = arith.constant 1 : index
    %get3A_22 = memref.load %arg7[%get3A_20, %get3A_21] : memref<5x2xf32, #tpu.memory_space<smem>>
    %mul3A_23 = vector.broadcast %get3A_22 : f32 to vector<100000xf32>
    %mul3A_24 = arith.mulf %get3A_7, %mul3A_23 : vector<100000xf32>
    %get3A_25 = arith.constant 1 : index
    %get3A_26 = arith.constant 0 : index
    %get3A_27 = memref.load %arg7[%get3A_25, %get3A_26] : memref<5x2xf32, #tpu.memory_space<smem>>
    %mul3A_28 = vector.broadcast %get3A_27 : f32 to vector<100000xf32>
    %mul3A_29 = arith.mulf %get3A_9, %mul3A_28 : vector<100000xf32>
    %add3A_30 = arith.addf %mul3A_19, %mul3A_29 : vector<100000xf32>
    %get3A_31 = arith.constant 1 : index
    %get3A_32 = arith.constant 1 : index
    %get3A_33 = memref.load %arg7[%get3A_31, %get3A_32] : memref<5x2xf32, #tpu.memory_space<smem>>
    %mul3A_34 = vector.broadcast %get3A_33 : f32 to vector<100000xf32>
    %mul3A_35 = arith.mulf %get3A_9, %mul3A_34 : vector<100000xf32>
    %add3A_36 = arith.addf %mul3A_24, %mul3A_35 : vector<100000xf32>
    %get3A_37 = arith.constant 2 : index
    %get3A_38 = arith.constant 0 : index
    %get3A_39 = memref.load %arg7[%get3A_37, %get3A_38] : memref<5x2xf32, #tpu.memory_space<smem>>
    %mul3A_40 = vector.broadcast %get3A_39 : f32 to vector<100000xf32>
    %mul3A_41 = arith.mulf %get3A_11, %mul3A_40 : vector<100000xf32>
    %add3A_42 = arith.addf %add3A_30, %mul3A_41 : vector<100000xf32>
    %get3A_43 = arith.constant 2 : index
    %get3A_44 = arith.constant 1 : index
    %get3A_45 = memref.load %arg7[%get3A_43, %get3A_44] : memref<5x2xf32, #tpu.memory_space<smem>>
    %mul3A_46 = vector.broadcast %get3A_45 : f32 to vector<100000xf32>
    %mul3A_47 = arith.mulf %get3A_11, %mul3A_46 : vector<100000xf32>
    %add3A_48 = arith.addf %add3A_36, %mul3A_47 : vector<100000xf32>
    %get3A_49 = arith.constant 3 : index
    %get3A_50 = arith.constant 0 : index
    %get3A_51 = memref.load %arg7[%get3A_49, %get3A_50] : memref<5x2xf32, #tpu.memory_space<smem>>
    %mul3A_52 = vector.broadcast %get3A_51 : f32 to vector<100000xf32>
    %mul3A_53 = arith.mulf %get3A_13, %mul3A_52 : vector<100000xf32>
    %add3A_54 = arith.addf %add3A_42, %mul3A_53 : vector<100000xf32>
    %get3A_55 = arith.constant 3 : index
    %get3A_56 = arith.constant 1 : index
    %get3A_57 = memref.load %arg7[%get3A_55, %get3A_56] : memref<5x2xf32, #tpu.memory_space<smem>>
    %mul3A_58 = vector.broadcast %get3A_57 : f32 to vector<100000xf32>
    %mul3A_59 = arith.mulf %get3A_13, %mul3A_58 : vector<100000xf32>
    %add3A_60 = arith.addf %add3A_48, %mul3A_59 : vector<100000xf32>
    %get3A_61 = arith.constant 4 : index
    %get3A_62 = arith.constant 0 : index
    %get3A_63 = memref.load %arg7[%get3A_61, %get3A_62] : memref<5x2xf32, #tpu.memory_space<smem>>
    %mul3A_64 = vector.broadcast %get3A_63 : f32 to vector<100000xf32>
    %mul3A_65 = arith.mulf %get3A_15, %mul3A_64 : vector<100000xf32>
    %add3A_66 = arith.addf %add3A_54, %mul3A_65 : vector<100000xf32>
    %get3A_67 = arith.constant 4 : index
    %get3A_68 = arith.constant 1 : index
    %get3A_69 = memref.load %arg7[%get3A_67, %get3A_68] : memref<5x2xf32, #tpu.memory_space<smem>>
    %mul3A_70 = vector.broadcast %get3A_69 : f32 to vector<100000xf32>
    %mul3A_71 = arith.mulf %get3A_15, %mul3A_70 : vector<100000xf32>
    %add3A_72 = arith.addf %add3A_60, %mul3A_71 : vector<100000xf32>
    %mul3A_73 = arith.mulf %add3A_66, %rsqrt3A : vector<100000xf32>
    %swap3A = arith.constant 0 : index
    %swap3A_74 = vector.load %arg8[%swap3A] : memref<100000xf32, #tpu.memory_space<vmem>>, vector<100000xf32>
    tpu.vector_store %arg8[%swap3A], %mul3A_73 {strides = array<i32>} : memref<100000xf32, #tpu.memory_space<vmem>>, vector<100000xf32>,
    %mul3A_75 = arith.mulf %add3A_72, %rsqrt3A : vector<100000xf32>
    %swap3A_76 = arith.constant 0 : index
    %swap3A_77 = vector.load %arg9[%swap3A_76] : memref<100000xf32, #tpu.memory_space<vmem>>, vector<100000xf32>
    tpu.vector_store %arg9[%swap3A_76], %mul3A_75 {strides = array<i32>} : memref<100000xf32, #tpu.memory_space<vmem>>, vector<100000xf32>,
    %swap3A_78 = arith.constant 0 : index
    %swap3A_79 = vector.load %arg10[%swap3A_78] : memref<100000xf32, #tpu.memory_space<vmem>>, vector<100000xf32>
    tpu.vector_store %arg10[%swap3A_78], %rsqrt3A {strides = array<i32>} : memref<100000xf32, #tpu.memory_space<vmem>>, vector<100000xf32>,
    return
  }
}

module attributes {stable_mosaic.version = 14 : i64} {
  func.func @body(%arg0: memref<100000xf32, #tpu.memory_space<vmem>>, %arg1: memref<100000xf32, #tpu.memory_space<vmem>>, %arg2: memref<100000xf32, #tpu.memory_space<vmem>>, %arg3: memref<100000xf32, #tpu.memory_space<vmem>>, %arg4: memref<100000xf32, #tpu.memory_space<vmem>>, %arg5: memref<100000xf32, #tpu.memory_space<vmem>>, %arg6: memref<100000xf32, #tpu.memory_space<vmem>>, %arg7: memref<100000xf32, #tpu.memory_space<vmem>>, %arg8: memref<100000xf32, #tpu.memory_space<vmem>>, %arg9: memref<100000xf32, #tpu.memory_space<vmem>>, %arg10: memref<100000xf32, #tpu.memory_space<vmem>>, %arg11: memref<100000xf32, #tpu.memory_space<vmem>>, %arg12: memref<2xf32, #tpu.memory_space<smem>>, %arg13: memref<100000xf32, #tpu.memory_space<vmem>>, %arg14: memref<100000xf32, #tpu.memory_space<vmem>>, %arg15: memref<100000xf32, #tpu.memory_space<vmem>>, %arg16: memref<100000xf32, #tpu.memory_space<vmem>>, %arg17: memref<2xf32, #tpu.memory_space<smem>>, %arg18: memref<2xf32, #tpu.memory_space<smem>>, %arg19: memref<1xf32, #tpu.memory_space<smem>>) attributes {dimension_semantics = [], scalar_prefetch = 0 : i64, scratch_operands = 0 : i64, tpu.core_type = #tpu.core_type<tc>} {
    %get3A = arith.constant 0 : index
    %get3A_0 = vector.load %arg5[%get3A] : memref<100000xf32, #tpu.memory_space<vmem>>, vector<100000xf32>
    %get3A_1 = arith.constant 0 : index
    %get3A_2 = vector.load %arg8[%get3A_1] : memref<100000xf32, #tpu.memory_space<vmem>>, vector<100000xf32>
    %get3A_3 = arith.constant 0 : index
    %get3A_4 = vector.load %arg10[%get3A_3] : memref<100000xf32, #tpu.memory_space<vmem>>, vector<100000xf32>
    %add3A = arith.addf %get3A_2, %get3A_4 : vector<100000xf32>
    %get3A_5 = arith.constant 0 : index
    %get3A_6 = vector.load %arg6[%get3A_5] : memref<100000xf32, #tpu.memory_space<vmem>>, vector<100000xf32>
    %add3A_7 = arith.addf %add3A, %get3A_6 : vector<100000xf32>
    %get3A_8 = arith.constant 0 : index
    %get3A_9 = vector.load %arg9[%get3A_8] : memref<100000xf32, #tpu.memory_space<vmem>>, vector<100000xf32>
    %get3A_10 = arith.constant 0 : index
    %get3A_11 = vector.load %arg11[%get3A_10] : memref<100000xf32, #tpu.memory_space<vmem>>, vector<100000xf32>
    %add3A_12 = arith.addf %get3A_9, %get3A_11 : vector<100000xf32>
    %get3A_13 = arith.constant 0 : index
    %get3A_14 = vector.load %arg7[%get3A_13] : memref<100000xf32, #tpu.memory_space<vmem>>, vector<100000xf32>
    %add3A_15 = arith.addf %add3A_12, %get3A_14 : vector<100000xf32>
    %mul3A = arith.mulf %get3A_0, %add3A_7 : vector<100000xf32>
    %get3A_16 = arith.constant 0 : index
    %get3A_17 = memref.load %arg12[%get3A_16] : memref<2xf32, #tpu.memory_space<smem>>
    %add3A_18 = vector.broadcast %get3A_17 : f32 to vector<100000xf32>
    %add3A_19 = arith.addf %mul3A, %add3A_18 : vector<100000xf32>
    %mul3A_20 = arith.mulf %get3A_0, %add3A_15 : vector<100000xf32>
    %get3A_21 = arith.constant 1 : index
    %get3A_22 = memref.load %arg12[%get3A_21] : memref<2xf32, #tpu.memory_space<smem>>
    %add3A_23 = vector.broadcast %get3A_22 : f32 to vector<100000xf32>
    %add3A_24 = arith.addf %mul3A_20, %add3A_23 : vector<100000xf32>
    %get3A_25 = arith.constant 0 : index
    %get3A_26 = vector.load %arg4[%get3A_25] : memref<100000xf32, #tpu.memory_space<vmem>>, vector<100000xf32>
    %eq3A = arith.constant 1.000000e+00 : f32
    %eq3A_27 = vector.broadcast %eq3A : f32 to vector<100000xf32>
    %eq3A_28 = arith.cmpf oeq, %get3A_26, %eq3A_27 : vector<100000xf32>
    %convert_element_type3A = arith.extui %eq3A_28 : vector<100000xi1> to vector<100000xi32>
    %convert_element_type3A_29 = arith.sitofp %convert_element_type3A : vector<100000xi32> to vector<100000xf32>
    %mul3A_30 = arith.constant 2.000000e-02 : f32
    %mul3A_31 = vector.broadcast %mul3A_30 : f32 to vector<100000xf32>
    %mul3A_32 = arith.mulf %add3A_19, %mul3A_31 : vector<100000xf32>
    %mul3A_33 = arith.mulf %mul3A_32, %convert_element_type3A_29 : vector<100000xf32>
    %mul3A_34 = arith.constant 2.000000e-02 : f32
    %mul3A_35 = vector.broadcast %mul3A_34 : f32 to vector<100000xf32>
    %mul3A_36 = arith.mulf %add3A_24, %mul3A_35 : vector<100000xf32>
    %mul3A_37 = arith.mulf %mul3A_36, %convert_element_type3A_29 : vector<100000xf32>
    %get3A_38 = arith.constant 0 : index
    %get3A_39 = vector.load %arg2[%get3A_38] : memref<100000xf32, #tpu.memory_space<vmem>>, vector<100000xf32>
    %add3A_40 = arith.addf %get3A_39, %mul3A_33 : vector<100000xf32>
    %jit3A = arith.constant -1.000000e-01 : f32
    %jit3A_41 = arith.constant 1.000000e-01 : f32
    %max3A = vector.broadcast %jit3A : f32 to vector<100000xf32>
    %max3A_42 = arith.maximumf %max3A, %add3A_40 : vector<100000xf32>
    %min3A = vector.broadcast %jit3A_41 : f32 to vector<100000xf32>
    %min3A_43 = arith.minimumf %min3A, %max3A_42 : vector<100000xf32>
    %get3A_44 = arith.constant 0 : index
    %get3A_45 = vector.load %arg3[%get3A_44] : memref<100000xf32, #tpu.memory_space<vmem>>, vector<100000xf32>
    %add3A_46 = arith.addf %get3A_45, %mul3A_37 : vector<100000xf32>
    %jit3A_47 = arith.constant -1.000000e-01 : f32
    %jit3A_48 = arith.constant 1.000000e-01 : f32
    %max3A_49 = vector.broadcast %jit3A_47 : f32 to vector<100000xf32>
    %max3A_50 = arith.maximumf %max3A_49, %add3A_46 : vector<100000xf32>
    %min3A_51 = vector.broadcast %jit3A_48 : f32 to vector<100000xf32>
    %min3A_52 = arith.minimumf %min3A_51, %max3A_50 : vector<100000xf32>
    %get3A_53 = arith.constant 0 : index
    %get3A_54 = vector.load %arg0[%get3A_53] : memref<100000xf32, #tpu.memory_space<vmem>>, vector<100000xf32>
    %add3A_55 = arith.addf %get3A_54, %min3A_43 : vector<100000xf32>
    %get3A_56 = arith.constant 0 : index
    %get3A_57 = vector.load %arg1[%get3A_56] : memref<100000xf32, #tpu.memory_space<vmem>>, vector<100000xf32>
    %add3A_58 = arith.addf %get3A_57, %min3A_52 : vector<100000xf32>
    %swap3A = arith.constant 0 : index
    %swap3A_59 = vector.load %arg13[%swap3A] : memref<100000xf32, #tpu.memory_space<vmem>>, vector<100000xf32>
    tpu.vector_store %arg13[%swap3A], %add3A_55 {strides = array<i32>} : memref<100000xf32, #tpu.memory_space<vmem>>, vector<100000xf32>,
    %swap3A_60 = arith.constant 0 : index
    %swap3A_61 = vector.load %arg14[%swap3A_60] : memref<100000xf32, #tpu.memory_space<vmem>>, vector<100000xf32>
    tpu.vector_store %arg14[%swap3A_60], %add3A_58 {strides = array<i32>} : memref<100000xf32, #tpu.memory_space<vmem>>, vector<100000xf32>,
    %swap3A_62 = arith.constant 0 : index
    %swap3A_63 = vector.load %arg15[%swap3A_62] : memref<100000xf32, #tpu.memory_space<vmem>>, vector<100000xf32>
    tpu.vector_store %arg15[%swap3A_62], %min3A_43 {strides = array<i32>} : memref<100000xf32, #tpu.memory_space<vmem>>, vector<100000xf32>,
    %swap3A_64 = arith.constant 0 : index
    %swap3A_65 = vector.load %arg16[%swap3A_64] : memref<100000xf32, #tpu.memory_space<vmem>>, vector<100000xf32>
    tpu.vector_store %arg16[%swap3A_64], %min3A_52 {strides = array<i32>} : memref<100000xf32, #tpu.memory_space<vmem>>, vector<100000xf32>,
    %abs3A = math.absf %min3A_43 : vector<100000xf32>
    %reduce_sum3A = vector.shape_cast %abs3A : vector<100000xf32> to vector<1x100000xf32>
    %reduce_sum3A_66 = arith.constant dense<0.000000e+00> : vector<1xf32>
    %reduce_sum3A_67 = vector.multi_reduction <add>, %reduce_sum3A, %reduce_sum3A_66 [1] : vector<1x100000xf32> to vector<1xf32>
    %reduce_sum3A_68 = vector.shape_cast %reduce_sum3A_67 : vector<1xf32> to vector<1x1xf32>
    %reduce_sum3A_69 = vector.extract %reduce_sum3A_68[0, 0] : f32 from vector<1x1xf32>
    %div3A = arith.constant 1.000000e+05 : f32
    %div3A_70 = arith.divf %reduce_sum3A_69, %div3A : f32
    %swap3A_71 = arith.constant 0 : index
    %swap3A_72 = memref.load %arg17[%swap3A_71] : memref<2xf32, #tpu.memory_space<smem>>
    memref.store %div3A_70, %arg17[%swap3A_71] : memref<2xf32, #tpu.memory_space<smem>>
    %abs3A_73 = math.absf %min3A_52 : vector<100000xf32>
    %reduce_sum3A_74 = vector.shape_cast %abs3A_73 : vector<100000xf32> to vector<1x100000xf32>
    %reduce_sum3A_75 = arith.constant dense<0.000000e+00> : vector<1xf32>
    %reduce_sum3A_76 = vector.multi_reduction <add>, %reduce_sum3A_74, %reduce_sum3A_75 [1] : vector<1x100000xf32> to vector<1xf32>
    %reduce_sum3A_77 = vector.shape_cast %reduce_sum3A_76 : vector<1xf32> to vector<1x1xf32>
    %reduce_sum3A_78 = vector.extract %reduce_sum3A_77[0, 0] : f32 from vector<1x1xf32>
    %div3A_79 = arith.constant 1.000000e+05 : f32
    %div3A_80 = arith.divf %reduce_sum3A_78, %div3A_79 : f32
    %swap3A_81 = arith.constant 1 : index
    %swap3A_82 = memref.load %arg17[%swap3A_81] : memref<2xf32, #tpu.memory_space<smem>>
    memref.store %div3A_80, %arg17[%swap3A_81] : memref<2xf32, #tpu.memory_space<smem>>
    %abs3A_83 = math.absf %add3A_55 : vector<100000xf32>
    %reduce_sum3A_84 = vector.shape_cast %abs3A_83 : vector<100000xf32> to vector<1x100000xf32>
    %reduce_sum3A_85 = arith.constant dense<0.000000e+00> : vector<1xf32>
    %reduce_sum3A_86 = vector.multi_reduction <add>, %reduce_sum3A_84, %reduce_sum3A_85 [1] : vector<1x100000xf32> to vector<1xf32>
    %reduce_sum3A_87 = vector.shape_cast %reduce_sum3A_86 : vector<1xf32> to vector<1x1xf32>
    %reduce_sum3A_88 = vector.extract %reduce_sum3A_87[0, 0] : f32 from vector<1x1xf32>
    %div3A_89 = arith.constant 1.000000e+05 : f32
    %div3A_90 = arith.divf %reduce_sum3A_88, %div3A_89 : f32
    %swap3A_91 = arith.constant 0 : index
    %swap3A_92 = memref.load %arg18[%swap3A_91] : memref<2xf32, #tpu.memory_space<smem>>
    memref.store %div3A_90, %arg18[%swap3A_91] : memref<2xf32, #tpu.memory_space<smem>>
    %abs3A_93 = math.absf %add3A_58 : vector<100000xf32>
    %reduce_sum3A_94 = vector.shape_cast %abs3A_93 : vector<100000xf32> to vector<1x100000xf32>
    %reduce_sum3A_95 = arith.constant dense<0.000000e+00> : vector<1xf32>
    %reduce_sum3A_96 = vector.multi_reduction <add>, %reduce_sum3A_94, %reduce_sum3A_95 [1] : vector<1x100000xf32> to vector<1xf32>
    %reduce_sum3A_97 = vector.shape_cast %reduce_sum3A_96 : vector<1xf32> to vector<1x1xf32>
    %reduce_sum3A_98 = vector.extract %reduce_sum3A_97[0, 0] : f32 from vector<1x1xf32>
    %div3A_99 = arith.constant 1.000000e+05 : f32
    %div3A_100 = arith.divf %reduce_sum3A_98, %div3A_99 : f32
    %swap3A_101 = arith.constant 1 : index
    %swap3A_102 = memref.load %arg18[%swap3A_101] : memref<2xf32, #tpu.memory_space<smem>>
    memref.store %div3A_100, %arg18[%swap3A_101] : memref<2xf32, #tpu.memory_space<smem>>
    %abs3A_103 = math.absf %add3A_55 : vector<100000xf32>
    %gt3A = arith.constant 1.000000e+00 : f32
    %gt3A_104 = vector.broadcast %gt3A : f32 to vector<100000xf32>
    %gt3A_105 = arith.cmpf ogt, %abs3A_103, %gt3A_104 : vector<100000xf32>
    %convert_element_type3A_106 = arith.extui %gt3A_105 : vector<100000xi1> to vector<100000xi32>
    %convert_element_type3A_107 = arith.sitofp %convert_element_type3A_106 : vector<100000xi32> to vector<100000xf32>
    %abs3A_108 = math.absf %add3A_58 : vector<100000xf32>
    %gt3A_109 = arith.constant 1.000000e+00 : f32
    %gt3A_110 = vector.broadcast %gt3A_109 : f32 to vector<100000xf32>
    %gt3A_111 = arith.cmpf ogt, %abs3A_108, %gt3A_110 : vector<100000xf32>
    %convert_element_type3A_112 = arith.extui %gt3A_111 : vector<100000xi1> to vector<100000xi32>
    %convert_element_type3A_113 = arith.sitofp %convert_element_type3A_112 : vector<100000xi32> to vector<100000xf32>
    %abs3A_114 = math.absf %add3A_55 : vector<100000xf32>
    %log3A = math.log %abs3A_114 : vector<100000xf32>
    %mul3A_115 = arith.mulf %log3A, %convert_element_type3A_107 : vector<100000xf32>
    %reduce_sum3A_116 = vector.shape_cast %mul3A_115 : vector<100000xf32> to vector<1x100000xf32>
    %reduce_sum3A_117 = arith.constant dense<0.000000e+00> : vector<1xf32>
    %reduce_sum3A_118 = vector.multi_reduction <add>, %reduce_sum3A_116, %reduce_sum3A_117 [1] : vector<1x100000xf32> to vector<1xf32>
    %reduce_sum3A_119 = vector.shape_cast %reduce_sum3A_118 : vector<1xf32> to vector<1x1xf32>
    %reduce_sum3A_120 = vector.extract %reduce_sum3A_119[0, 0] : f32 from vector<1x1xf32>
    %abs3A_121 = math.absf %add3A_58 : vector<100000xf32>
    %log3A_122 = math.log %abs3A_121 : vector<100000xf32>
    %mul3A_123 = arith.mulf %log3A_122, %convert_element_type3A_113 : vector<100000xf32>
    %reduce_sum3A_124 = vector.shape_cast %mul3A_123 : vector<100000xf32> to vector<1x100000xf32>
    %reduce_sum3A_125 = arith.constant dense<0.000000e+00> : vector<1xf32>
    %reduce_sum3A_126 = vector.multi_reduction <add>, %reduce_sum3A_124, %reduce_sum3A_125 [1] : vector<1x100000xf32> to vector<1xf32>
    %reduce_sum3A_127 = vector.shape_cast %reduce_sum3A_126 : vector<1xf32> to vector<1x1xf32>
    %reduce_sum3A_128 = vector.extract %reduce_sum3A_127[0, 0] : f32 from vector<1x1xf32>
    %add3A_129 = arith.addf %reduce_sum3A_120, %reduce_sum3A_128 : f32
    %swap3A_130 = arith.constant 0 : index
    %swap3A_131 = memref.load %arg19[%swap3A_130] : memref<1xf32, #tpu.memory_space<smem>>
    memref.store %add3A_129, %arg19[%swap3A_130] : memref<1xf32, #tpu.memory_space<smem>>
    return
  }
}

</mosaic_0001>

<sc_bundles>
// kernel: kernel.6.cloned.1.call-start
scs
__scs_entry_jumppad:
0x0: {  	(pc) =	sbr.rel $0x88, $3  }
0x1: {  	(tag) =	ssettag $0x0;
	lr =	simm.s32 $0x1  }
0x2: {  	[smem:$0x3F9D] =	sst lr;
	_ =	strace $0xD0000000  }
0x3: {  	_ = 	snop  }
0x4: {  	_ = 	snop  }
0x5: {  	_ = 	snop  }
0x6: {  	_ = 	snop  }
0x7: {  	_ = 	snop  }
__scs_overlays_trampoline_lowered:
0x8: {  	[smem:$0x3FAC] =	sst s0  }
0x9: {  	[smem:$0x3FAD] =	sst s1  }
0xa: {  	[smem:$0x3FAE] =	sst s2  }
0xb: {  	[smem:$0x3FAF] =	sst s3  }
0xc: {  	[smem:$0x3FB0] =	sst s4  }
0xd: {  	[smem:$0x3FB1] =	sst s5  }
0xe: {  	[smem:$0x3FB2] =	sst s6  }
0xf: {  	[smem:$0x3FB3] =	sst s7  }
0x10: {  	[smem:$0x3FB4] =	sst s8  }
0x11: {  	[smem:$0x3FB5] =	sst s9;
	s0 =	simm.s32 @!p0 $0x0  }
0x12: {  	s1 =	sld [smem:$0x3F9B];
	s0 =	simm.s32 @p0 $0x1  }
0x13: {  	[smem:$0x3FB6] =	sst s0;
	s0 =	simm.s32 @!p1 $0x0  }
0x14: {  	s2 =	sld [smem:$0x3F9A];
	s0 =	simm.s32 @p1 $0x1  }
0x15: {  	[smem:$0x3FB7] =	sst s0;
	s0 =	simm.s32 @!p2 $0x0  }
0x16: {  	s3 =	sld [smem:$0x3FDB];
	s0 =	simm.s32 @p2 $0x1  }
0x17: {  	s4 =	simm.s32 $0x1BF5;
	[smem:$0x3FB9] =	sst s0  }
0x18: {  	s0 =	sld [smem:$0x3F9C];
	_ =	swait.ge [sflag:s4], $0x0  }
0x19: {  	s7 =	sld [smem:$0x3F9D]  }
0x1a: {  	s8 =	sadd.s32 $0xFFFFE003, lr  }
0x1b: {  	s9 =	sadd.s32 $0xFFFFFEF7, lr;
	s5 =	simm.s32 $0xFFFFFFFF;
	p2 =	slt.u32 s8, $0xFFFFF086  }
0x1c: {  	p1 =	slt.u32 s9, $0xF7A;
	s5 =	simm.s32 @!p2 $0x0  }
0x1d: {  	s5 =	simm.s32 @p1 $0x1;
	p0 =	seq.s32 s7, s2  }
0x1e: {  	s7 =	smul.u32 @!p0 $0xF7A, s2;
	p2 =	seq.s32 @!p0 s5, $0x0  }
0x1f: {  	s9 =	smul.u32 $0xF7A, s1;
	s8 =	simm.s32 @!p0 $0x1BF5;
	p2 =	por !p2, p0  }
0x20: {  	[sflag:s8] =	ssyncset.s32 @!p0 $0xFFFFF086;
	s6 =	sadd.s32 @!p0 s3, s7;
	s7 =	simm.s32 @!p0 $0x108  }
0x21: {  	s3 =	sadd.s32 s3, s9;
	s6 =	sadd.s32 @!p0 $0x88, s6;
	s7 =	simm.s32 @p2 $0x1082  }
0x22: {  	[simem:s7], [sflag:s8] =	dma.local @!p0 [hbm:s6], $0xF7A  }
0x23: {  	s9 =	sor.u32 $0xD0000000, s2;
	s6 =	simm.s32 $0x108;
	_ =	swait.ge @!p0 [sflag:s8], $0x0  }
0x24: {  	s3 =	sadd.s32 $0x88, s3;
	s6 =	simm.s32 @!p1 $0x1082;
	[sflag:s4] =	ssyncset.s32 $0xFFFFF086  }
0x25: {  	[simem:s6], [sflag:s4] =	dma.local [hbm:s3], $0xF7A  }
0x26: {  	[smem:$0x3F9D] =	sst s1;
	(tag) =	ssettag s2;
	_ =	strace s9  }
0x27: {  	s1 =	sld [smem:$0x3FAD]  }
0x28: {  	s2 =	sld [smem:$0x3FAE]  }
0x29: {  	s4 =	sld [smem:$0x3FB0]  }
0x2a: {  	p0 =	seq.s32 s5, $0x0;
	s5 =	sld [smem:$0x3FB1]  }
0x2b: {  	s6 =	sld [smem:$0x3FB2]  }
0x2c: {  	s7 =	sld [smem:$0x3FB3]  }
0x2d: {  	s3 =	simm.s32 $0x108;
	s8 =	sld [smem:$0x3FB4]  }
0x2e: {  	s3 =	simm.s32 @!p0 $0x1082;
	s9 =	sld [smem:$0x3FB5]  }
0x2f: {  	lr =	sadd.s32 s0, s3;
	s0 =	sld [smem:$0x3FAC]  }
0x30: {  	s3 =	sld [smem:$0x3FAF]  }
0x31: {  	[smem:$0x3FB8] =	sst s10  }
0x32: {  	s10 =	sld [smem:$0x3FB6];
	_ =	sdelay $0x3  }
0x33: {  	p0 =	seq.s32 s10, $0x1;
	s10 =	sld [smem:$0x3FB8];
	_ =	sdelay $0x3  }
0x34: {  	[smem:$0x3FB8] =	sst s10  }
0x35: {  	s10 =	sld [smem:$0x3FB7];
	_ =	sdelay $0x3  }
0x36: {  	p1 =	seq.s32 s10, $0x1;
	s10 =	sld [smem:$0x3FB8];
	_ =	sdelay $0x3  }
0x37: {  	[smem:$0x3FB8] =	sst s10  }
0x38: {  	s10 =	sld [smem:$0x3FB9]  }
0x39: {  	_ = 	snop;
	(pc) =	sbr.ind lr, $3  }
0x3a: {  	_ = 	snop  }
0x3b: {  	_ = 	snop  }
0x3c: {  	p2 =	seq.s32 s10, $0x1;
	s10 =	sld [smem:$0x3FB8]  }
0x3d: {  	_ =	shalt  }
0x3e: {  	_ =	shalt  }
0x3f: {  	_ =	shalt  }
0x40: {  	_ =	shalt  }
0x41: {  	_ =	shalt  }
0x42: {  	_ =	shalt  }
0x43: {  	_ =	shalt  }
0x44: {  	_ =	shalt  }
0x45: {  	_ =	shalt  }
0x46: {  	_ =	shalt  }
0x47: {  	_ =	shalt  }
0x48: {  	_ =	shalt  }
0x49: {  	_ =	shalt  }
0x4a: {  	_ =	shalt  }
0x4b: {  	_ =	shalt  }
0x4c: {  	_ =	shalt  }
0x4d: {  	_ =	shalt  }
0x4e: {  	_ =	shalt  }
0x4f: {  	_ =	shalt  }
0x50: {  	_ =	shalt  }
0x51: {  	_ =	shalt  }
0x52: {  	_ =	shalt  }
0x53: {  	_ =	shalt  }
0x54: {  	_ =	shalt  }
0x55: {  	_ =	shalt  }
0x56: {  	_ =	shalt  }
0x57: {  	_ =	shalt  }
0x58: {  	_ =	shalt  }
0x59: {  	_ =	shalt  }
0x5a: {  	_ =	shalt  }
0x5b: {  	_ =	shalt  }
0x5c: {  	_ =	shalt  }
0x5d: {  	_ =	shalt  }
0x5e: {  	_ =	shalt  }
0x5f: {  	_ =	shalt  }
0x60: {  	_ =	shalt  }
0x61: {  	_ =	shalt  }
0x62: {  	_ =	shalt  }
0x63: {  	_ =	shalt  }
0x64: {  	_ =	shalt  }
0x65: {  	_ =	shalt  }
0x66: {  	_ =	shalt  }
0x67: {  	_ =	shalt  }
0x68: {  	_ =	shalt  }
0x69: {  	_ =	shalt  }
0x6a: {  	_ =	shalt  }
0x6b: {  	_ =	shalt  }
0x6c: {  	_ =	shalt  }
0x6d: {  	_ =	shalt  }
0x6e: {  	_ =	shalt  }
0x6f: {  	_ =	shalt  }
0x70: {  	_ =	shalt  }
0x71: {  	_ =	shalt  }
0x72: {  	_ =	shalt  }
0x73: {  	_ =	shalt  }
0x74: {  	_ =	shalt  }
0x75: {  	_ =	shalt  }
0x76: {  	_ =	shalt  }
0x77: {  	_ =	shalt  }
0x78: {  	_ =	shalt  }
0x79: {  	_ =	shalt  }
0x7a: {  	_ =	shalt  }
0x7b: {  	_ =	shalt  }
0x7c: {  	_ =	shalt  }
0x7d: {  	_ =	shalt  }
0x7e: {  	_ =	shalt  }
0x7f: {  	_ =	shalt  }
0x80: {  	_ =	shalt  }
0x81: {  	_ =	shalt  }
0x82: {  	_ =	shalt  }
0x83: {  	_ =	shalt  }
0x84: {  	_ =	shalt  }
0x85: {  	_ =	shalt  }
0x86: {  	_ =	shalt  }
0x87: {  	_ =	shalt  }
.Lfunc_end0:
.L_simem_size_0:
called_computation.1_lowered:
.L_overlay_start_0:
0x88: {  	s2 =	sld [smem:$0x3FD9]  }
0x89: {  	s3 =	sld [smem:$0x3FFE];
	_ =	sdelay $0x1  }
0x8a: {  	s1 =	srdreg.scid  }
0x8b: {  	s0 =	sand.u32 $0x1, s1  }
0x8c: {  	s14 =	sshll.u32 s0, $0xA;
	s2 =	sadd.s32 s3, s2  }
0x8d: {  	s2 =	sadd.s32 s2, s14  }
0x8e: {  	[smem:$0x3FC4] =	sst s2  }
0x8f: {  	_ = 	snop  }
0x90: {  	s2 =	sld [smem:$0x3FD0];
	_ =	sdelay $0x2  }
0x91: {  	s15 =	simm.s32 $0xA;
	s4 =	simm.s32 $0x10  }
0x92: {  	[smem:s4], [sflag:s15] =	dma.local [hbm:s2], $0x1  }
0x93: {  	_ =	swait.eq [sflag:s15], $0x1  }
0x94: {  	[sflag:s15] =	ssyncset.done $0x0  }
0x95: {  	[sflag:s15] =	ssyncadd.s32 $0xFFFFFFFF  }
0x96: {  	s16 =	sld [smem:$0x10];
	(tm) =	ssettm $0x1  }
0x97: {  	s17 =	sld [smem:$0x3FFB];
	_ =	sdelay $0x3  }
0x98: {  	_ =	strace s17  }
0x99: {  	s3 =	sld [smem:$0x3FFC];
	_ =	sdelay $0x3  }
0x9a: {  	_ =	strace s3  }
0x9b: {  	s3 =	sld [smem:$0x3FFD];
	_ =	sdelay $0x3  }
0x9c: {  	_ =	strace s3  }
0x9d: {  	_ =	strace $0x8FFFFFFF  }
0x9e: {  	s18 =	sld [smem:$0x3FDB];
	_ =	sdelay $0x1  }
0x9f: {  	s19 =	simm.s32 $_scs_section_size  }
0xa0: {  	s5 =	simm.s32 $_size__tile_overlayer_lowered;
	s6 =	simm.s32 $_tile_overlayer_lowered  }
0xa1: {  	s22 =	simm.s32 $0x1BFF;
	s21 =	sshll.u32 s6, $0x1;
	s3 =	sadd.s32 s19, s18  }
0xa2: {  	s7 =	simm.s32 $0x0;
	s20 =	sshll.u32 s5, $0x1;
	s5 =	sadd.s32 s21, s3  }
0xa3: {  	[timem:s7], [sflag:s22] =	dma.local [hbm:s5], s20  }
0xa4: {  	_ =	swait.ge [sflag:s22], s20  }
0xa5: {  	s4 =	ssub.s32 $0x0, s20;
	[sflag:s22] =	ssyncset.done $0x0  }
0xa6: {  	[sflag:s22] =	ssyncadd.s32 s4;
	_ =	sdelay $0x1  }
0xa7: {  	s23 =	simm.s32 $0x1B8B  }
0xa8: {  	_ =	swait.ge [sflag:s23], $0x1  }
0xa9: {  	[sflag:s23] =	ssyncset.done $0x0  }
0xaa: {  	s25 =	simm.s32 $0x1B8E;
	s24 =	sld [smem:$0x3FFE];
	[sflag:s23] =	ssyncadd.s32 $0xFFFFFFFF  }
0xab: {  	s26 =	simm.s32 $execute0_lowered;
	[smem:$0x3FD2] =	sst s25  }
0xac: {  	s5 =	sshll.u32 s26, $0x1;
	_ =	strace $0x80000049;
	[dreg:$0x1] =	wrdreg $0xFFFFFFFF  }
0xad: {  	s28 =	simm.s32 $_size_execute0_lowered;
	s3 =	sadd.s32 s3, s5;
	[dreg:$0x0] =	wrdreg $0x0  }
0xae: {  	s5 =	sshll.u32 s28, $0x1;
	[dreg:$0x2] =	wrdreg s3  }
0xaf: {  	[dreg:$0x3] =	wrdreg s5  }
0xb0: {  	[dreg:$0x4] =	wrdreg $0xC0  }
0xb1: {  	_ =	task [dreg:s7], $0x5FFFF  }
0xb2: {  	[dreg:$0x1] =	wrdreg $0xFFFFFFFF  }
0xb3: {  	[dreg:$0x0] =	wrdreg $0x60  }
0xb4: {  	[dreg:$0x2] =	wrdreg s24  }
0xb5: {  	[dreg:$0x3] =	wrdreg s16  }
0xb6: {  	[dreg:$0x4] =	wrdreg $0x187000  }
0xb7: {  	[dreg:$0x5] =	wrdreg $0x9  }
0xb8: {  	_ =	task.clear_ibuf [dreg:s7], $0x6FFFF;
	_ =	strace $0x90000049  }
0xb9: {  	s29 =	simm.s32 $0x9;
	_ =	strace $0x8000004B  }
0xba: {  	_ =	swait.ge [sflag:s29], $0x1  }
0xbb: {  	[sflag:s29] =	ssyncadd.s32 $0xFFFFFFFF  }
0xbc: {  	_ =	strace $0x9000004B  }
0xbd: {  	_ =	sfence  }
0xbe: {  	s30 =	sld [smem:$0x0];
	_ =	sdelay $0x2  }
0xbf: {  	s31 =	sshll.u32 s1, $0xD;
	s1 =	sshrl.u32 s1, $0x2  }
0xc0: {  	s3 =	sand.u32 $0x4000, s31;
	s1 =	sadd.s32 s1, s30  }
0xc1: {  	s0 =	sor.u32 s3, s0;
	s1 =	sshll.u32 s1, $0x11  }
0xc2: {  	s0 =	sor.u32 s1, s0  }
0xc3: {  	s0 =	sadd.s32 $0x8F2B, s0  }
0xc4: {  	[sflag:s0] =	ssyncadd.remote.s32 $0x1  }
0xc5: {  	_ =	sfence.sel $0xFFFF  }
0xc6: {  	[dreg:$0x0] =	wrdreg $0xFFFFFFFF;
	(pc) =	sbr.abs _section_cstart, $3  }
0xc7: {  	[dreg:$0x1] =	wrdreg $0xFFFFFFFF  }
0xc8: {  	_ =	task.clear_ibuf [dreg:s7], $0x2FFFF;
	_ =	strace $0x9FFFFFFF  }
0xc9: {  	(tm) =	ssettm $0x7FFFFFFF  }
tec
execute0_lowered:
.L_overlay_start_1:
0x0: {  	(tag) =	ssettag $0x1  }
0x1: {  	s5 =	rddreg [dreg:$0x0]  }
0x2: {  	s11 =	rddreg [dreg:$0x1]  }
0x3: {  	s1 =	rddreg [dreg:$0x2]  }
0x4: {  	s0 =	rddreg [dreg:$0x3];
	s3 =	simm.s32 $0x0;
	s2 =	srdreg.scid  }
0x5: {  	s7 =	stileid.u32;
	p3 =	por $0x0, $0x0;
	[smem:$0x7FF] =	sst s3  }
0x6: {  	s6 =	sand.u32 $0x1, s2;
	s14 =	sadd.s32 $0x188200, s5;
	s10 =	smul.u32 $0x30D40, s7  }
0x7: {  	s4 =	sadd.s32 $0x189C00, s5;
	s2 =	sadd.s32 $0x18CE00, s5;
	s9 =	ssub.s32 $0x2, s6  }
0x8: {  	p0 =	seq.s32 s7, $0x0;
	_ =	strace $0x8000004A;
	s12 =	sshrl.u32 s9, $0x1  }
0x9: {  	s8 =	smul.u32 $0x30D400, s6;
	p1 =	seq.s32 s6, $0x1;
	s9 =	ssub.s32 s9, s12  }
0xa: {  	s6 =	sor.u32 s6, s7;
	p0 =	por !p0, !p1;
	s31 =	smax.u32 s9, $0x1  }
0xb: {  	p1 =	sne.s32 s7, $0x0;
	p2 =	sne.s32 s6, $0x0;
	s22 =	sadd.s32 $0xFFFFFFFF, s31  }
0xc: {  	s6 =	simm.s32 $0x1;
	s8 =	sadd.s32 s10, s8;
	p4 =	sne.s32 s22, $0x0  }
.Ltmp0:
0xd: {  	p0 =	por !p0, !p0;
	s8 =	sshrl.u32 s8, $0x3;
	(pc) =	sbr.rel @!p4 .LBB2_3-.Ltmp0, $4  }
0xe: {  	s17 =	sshrl.u32 @!p1 s1, $0x3;
	s12 =	simm.s32 $0xC350;
	s5 =	sadd.s32 s5, s8  }
0xf: {  	s10 =	sshrl.u32 @!p2 s1, $0x3;
	s16 =	sadd.s32 $0xC4D00, s5;
	s15 =	sadd.s32 $0xC656A, s5  }
0x10: {  	s13 =	sadd.s32 $0xC7DD4, s5;
	s8 =	sadd.s32 $0xC963E, s5;
	s5 =	sshll.u32 @!p2 s7, $0x6  }
0x11: {  	s9 =	simm.s32 $0xC380;
	s7 =	sor.u32 @!p2 $0x1C01, s5;
	s5 =	sshrl.u32 @p0 s1, $0x3  }
0x12: {  	s18 =	simm.s32 @!p1 $0x1C01;
	s19 =	simm.s32 @!p1 $0x1  }
0x13: {  	[spmem:s17], [sflag:s18] =	dma.local @!p1 [hbm:s11], $0x30E0  }
0x14: {  	_ =	swait.ge @!p1 [sflag:s19], $0x30E0  }
0x15: {  	[sflag:s19] =	ssyncset.done @!p1 $0x0  }
0x16: {  	[sflag:s19] =	ssyncadd.s32 @!p1 $0xFFFFCF20  }
0x17: {  	[tilespmem:s9], [sflag:$0x1] =	stream.linear.gather [hbm4b:s14+s3], $0xC380, $0x38;
	[tilespmem:$0x19F70] =	vst v63  }
0x18: {  	_ =	swait.ge [sflag:s6], $0xC380  }
0x19: {  	[sflag:s6] =	ssyncset.done $0x0  }
0x1a: {  	[sflag:s6] =	ssyncadd.s32 $0xFFFF3C80  }
0x1b: {  	[bflag:$0x0] =	sbarrier.arrive $0xFFFF  }
0x1c: {  	[tilespmem:s3], [sflag:$0x1] =	stream.linear.gather [hbm4b:s16+s3], $0xC350, $0x38;
	[tilespmem:$0x19F70] =	vst v63  }
0x1d: {  	_ =	swait.ge [sflag:s6], $0xC350  }
0x1e: {  	[sflag:s6] =	ssyncset.done $0x0  }
0x1f: {  	[sflag:s6] =	ssyncadd.s32 $0xFFFF3CB0  }
0x20: {  	[spmem:s1] =	stream.indirect.scatter.add.f32 [tilespmem:s9], [sflag:$0x1], $0x1, s3, s12, $0xb8;
	[tilespmem:$0x19F70] =	vst v63  }
0x21: {  	_ =	swait.ge [sflag:s6], $0xC350  }
0x22: {  	[sflag:s6] =	ssyncset.done $0x0  }
0x23: {  	[sflag:s6] =	ssyncadd.s32 $0xFFFF3CB0  }
0x24: {  	[tilespmem:s3], [sflag:$0x1] =	stream.linear.gather [hbm4b:s15+s3], $0xC350, $0x38;
	[tilespmem:$0x19F70] =	vst v63  }
0x25: {  	_ =	swait.ge [sflag:s6], $0xC350  }
0x26: {  	[sflag:s6] =	ssyncset.done $0x0  }
0x27: {  	[sflag:s6] =	ssyncadd.s32 $0xFFFF3CB0  }
0x28: {  	[spmem:s1] =	stream.indirect.scatter.add.f32 [tilespmem:s9], [sflag:$0x1], $0x1, s3, s12, $0xb8;
	[tilespmem:$0x19F70] =	vst v63  }
0x29: {  	_ =	swait.ge [sflag:s6], $0xC350  }
0x2a: {  	[sflag:s6] =	ssyncset.done $0x0  }
0x2b: {  	[sflag:s6] =	ssyncadd.s32 $0xFFFF3CB0  }
0x2c: {  	[tilespmem:s3], [sflag:$0x1] =	stream.linear.gather [hbm4b:s13+s3], $0xC350, $0x38;
	[tilespmem:$0x19F70] =	vst v63  }
0x2d: {  	_ =	swait.ge [sflag:s6], $0xC350  }
0x2e: {  	[sflag:s6] =	ssyncset.done $0x0  }
0x2f: {  	[sflag:s6] =	ssyncadd.s32 $0xFFFF3CB0  }
0x30: {  	[spmem:s1] =	stream.indirect.scatter.add.f32 [tilespmem:s9], [sflag:$0x1], $0x1, s3, s12, $0xb8;
	[tilespmem:$0x19F70] =	vst v63  }
0x31: {  	_ =	swait.ge [sflag:s6], $0xC350  }
0x32: {  	[sflag:s6] =	ssyncset.done $0x0  }
0x33: {  	[sflag:s6] =	ssyncadd.s32 $0xFFFF3CB0  }
0x34: {  	[tilespmem:s3], [sflag:$0x1] =	stream.linear.gather [hbm4b:s8+s3], $0xC350, $0x38;
	[tilespmem:$0x19F70] =	vst v63  }
0x35: {  	_ =	swait.ge [sflag:s6], $0xC350  }
0x36: {  	[sflag:s6] =	ssyncset.done $0x0  }
0x37: {  	[sflag:s6] =	ssyncadd.s32 $0xFFFF3CB0  }
0x38: {  	[spmem:s1] =	stream.indirect.scatter.add.f32 [tilespmem:s9], [sflag:$0x1], $0x1, s3, s12, $0xb8;
	[tilespmem:$0x19F70] =	vst v63  }
0x39: {  	_ =	swait.ge [sflag:s6], $0xC350  }
0x3a: {  	[sflag:s6] =	ssyncset.done $0x0  }
0x3b: {  	[sflag:s6] =	ssyncadd.s32 $0xFFFF3CB0  }
0x3c: {  	s21 =	simm.s32 @!p2 $0x1;
	s22 =	sadd.s32 $0xFFFFFFFF, s22;
	[bflag:$0x0] =	sbarrier.arrive $0xFFFF  }
0x3d: {  	[hbm:s4], [sflag:s7] =	dma.local @!p2 [spmem:s10], $0x30E0  }
0x3e: {  	p4 =	sne.s32 s22, $0x0;
	_ =	swait.ge @!p2 [sflag:s21], $0x30E0  }
.Ltmp1:
0x3f: {  	[sflag:s21] =	ssyncset.done @!p2 $0x0;
	(pc) =	sbr.rel @!p4 .LBB2_3-.Ltmp1, $4  }
0x40: {  	s23 =	simm.s32 @p0 $0x1C01;
	s20 =	simm.s32 @p0 $0x1;
	[sflag:s21] =	ssyncadd.s32 @!p2 $0xFFFFCF20  }
0x41: {  	[hbm:s2], [sflag:s23] =	dma.local @p0 [spmem:s5], $0x30E0  }
0x42: {  	_ =	swait.ge @p0 [sflag:s20], $0x30E0  }
0x43: {  	p3 =	por $0x1, $0x1;
	[sflag:s20] =	ssyncset.done @p0 $0x0  }
.LBB2_2:
0x44: {  	[sflag:s20] =	ssyncadd.s32 @p0 $0xFFFFCF20  }
0x45: {  	[spmem:s17], [sflag:s18] =	dma.local @!p1 [hbm:s11], $0x30E0  }
0x46: {  	s22 =	sadd.s32 $0xFFFFFFFF, s22;
	_ =	swait.ge @!p1 [sflag:s19], $0x30E0  }
0x47: {  	p4 =	sne.s32 s22, $0x0;
	[sflag:s19] =	ssyncset.done @!p1 $0x0  }
0x48: {  	[sflag:s19] =	ssyncadd.s32 @!p1 $0xFFFFCF20  }
0x49: {  	[tilespmem:s9], [sflag:$0x1] =	stream.linear.gather [hbm4b:s14+s3], $0xC380, $0x38;
	[tilespmem:$0x19F70] =	vst v63  }
0x4a: {  	_ =	swait.ge [sflag:s6], $0xC380  }
0x4b: {  	[sflag:s6] =	ssyncset.done $0x0  }
0x4c: {  	[sflag:s6] =	ssyncadd.s32 $0xFFFF3C80  }
0x4d: {  	[bflag:$0x0] =	sbarrier.arrive $0xFFFF  }
0x4e: {  	[tilespmem:s3], [sflag:$0x1] =	stream.linear.gather [hbm4b:s16+s3], $0xC350, $0x38;
	[tilespmem:$0x19F70] =	vst v63  }
0x4f: {  	_ =	swait.ge [sflag:s6], $0xC350  }
0x50: {  	[sflag:s6] =	ssyncset.done $0x0  }
0x51: {  	[sflag:s6] =	ssyncadd.s32 $0xFFFF3CB0  }
0x52: {  	[spmem:s1] =	stream.indirect.scatter.add.f32 [tilespmem:s9], [sflag:$0x1], $0x1, s3, s12, $0xb8;
	[tilespmem:$0x19F70] =	vst v63  }
0x53: {  	_ =	swait.ge [sflag:s6], $0xC350  }
0x54: {  	[sflag:s6] =	ssyncset.done $0x0  }
0x55: {  	[sflag:s6] =	ssyncadd.s32 $0xFFFF3CB0  }
0x56: {  	[tilespmem:s3], [sflag:$0x1] =	stream.linear.gather [hbm4b:s15+s3], $0xC350, $0x38;
	[tilespmem:$0x19F70] =	vst v63  }
0x57: {  	_ =	swait.ge [sflag:s6], $0xC350  }
0x58: {  	[sflag:s6] =	ssyncset.done $0x0  }
0x59: {  	[sflag:s6] =	ssyncadd.s32 $0xFFFF3CB0  }
0x5a: {  	[spmem:s1] =	stream.indirect.scatter.add.f32 [tilespmem:s9], [sflag:$0x1], $0x1, s3, s12, $0xb8;
	[tilespmem:$0x19F70] =	vst v63  }
0x5b: {  	_ =	swait.ge [sflag:s6], $0xC350  }
0x5c: {  	[sflag:s6] =	ssyncset.done $0x0  }
0x5d: {  	[sflag:s6] =	ssyncadd.s32 $0xFFFF3CB0  }
0x5e: {  	[tilespmem:s3], [sflag:$0x1] =	stream.linear.gather [hbm4b:s13+s3], $0xC350, $0x38;
	[tilespmem:$0x19F70] =	vst v63  }
0x5f: {  	_ =	swait.ge [sflag:s6], $0xC350  }
0x60: {  	[sflag:s6] =	ssyncset.done $0x0  }
0x61: {  	[sflag:s6] =	ssyncadd.s32 $0xFFFF3CB0  }
0x62: {  	[spmem:s1] =	stream.indirect.scatter.add.f32 [tilespmem:s9], [sflag:$0x1], $0x1, s3, s12, $0xb8;
	[tilespmem:$0x19F70] =	vst v63  }
0x63: {  	_ =	swait.ge [sflag:s6], $0xC350  }
0x64: {  	[sflag:s6] =	ssyncset.done $0x0  }
0x65: {  	[sflag:s6] =	ssyncadd.s32 $0xFFFF3CB0  }
0x66: {  	[tilespmem:s3], [sflag:$0x1] =	stream.linear.gather [hbm4b:s8+s3], $0xC350, $0x38;
	[tilespmem:$0x19F70] =	vst v63  }
0x67: {  	_ =	swait.ge [sflag:s6], $0xC350  }
0x68: {  	[sflag:s6] =	ssyncset.done $0x0  }
0x69: {  	[sflag:s6] =	ssyncadd.s32 $0xFFFF3CB0  }
0x6a: {  	[spmem:s1] =	stream.indirect.scatter.add.f32 [tilespmem:s9], [sflag:$0x1], $0x1, s3, s12, $0xb8;
	[tilespmem:$0x19F70] =	vst v63  }
0x6b: {  	_ =	swait.ge [sflag:s6], $0xC350  }
0x6c: {  	[sflag:s6] =	ssyncset.done $0x0  }
0x6d: {  	[sflag:s6] =	ssyncadd.s32 $0xFFFF3CB0  }
0x6e: {  	[bflag:$0x0] =	sbarrier.arrive $0xFFFF  }
0x6f: {  	[hbm:s4], [sflag:s7] =	dma.local @!p2 [spmem:s10], $0x30E0  }
0x70: {  	_ =	swait.ge @!p2 [sflag:s21], $0x30E0  }
.Ltmp2:
0x71: {  	[sflag:s21] =	ssyncset.done @!p2 $0x0;
	(pc) =	sbr.rel @p4 .LBB2_2-.Ltmp2, $4  }
0x72: {  	[sflag:s21] =	ssyncadd.s32 @!p2 $0xFFFFCF20  }
0x73: {  	[hbm:s2], [sflag:s23] =	dma.local @p0 [spmem:s5], $0x30E0  }
0x74: {  	_ =	swait.ge @p0 [sflag:s20], $0x30E0  }
0x75: {  	[sflag:s20] =	ssyncset.done @p0 $0x0  }
.LBB2_3:
0x76: {  	p3 =	por !p0, !p3  }
0x77: {  	s18 =	simm.s32 @!p1 $0x1C01;
	s19 =	simm.s32 @!p1 $0x1;
	[sflag:s20] =	ssyncadd.s32 @!p3 $0xFFFFCF20  }
0x78: {  	[spmem:s17], [sflag:s18] =	dma.local @!p1 [hbm:s11], $0x30E0  }
0x79: {  	_ =	swait.ge @!p1 [sflag:s19], $0x30E0  }
0x7a: {  	[sflag:s19] =	ssyncset.done @!p1 $0x0  }
0x7b: {  	[sflag:s19] =	ssyncadd.s32 @!p1 $0xFFFFCF20  }
0x7c: {  	[tilespmem:s9], [sflag:$0x1] =	stream.linear.gather [hbm4b:s14+s3], $0xC380, $0x38;
	[tilespmem:$0x19F70] =	vst v63  }
0x7d: {  	_ =	swait.ge [sflag:s6], $0xC380  }
0x7e: {  	[sflag:s6] =	ssyncset.done $0x0  }
0x7f: {  	[sflag:s6] =	ssyncadd.s32 $0xFFFF3C80  }
0x80: {  	[bflag:$0x0] =	sbarrier.arrive $0xFFFF  }
0x81: {  	[tilespmem:s3], [sflag:$0x1] =	stream.linear.gather [hbm4b:s16+s3], $0xC350, $0x38;
	[tilespmem:$0x19F70] =	vst v63  }
0x82: {  	_ =	swait.ge [sflag:s6], $0xC350  }
0x83: {  	[sflag:s6] =	ssyncset.done $0x0  }
0x84: {  	[sflag:s6] =	ssyncadd.s32 $0xFFFF3CB0  }
0x85: {  	[spmem:s1] =	stream.indirect.scatter.add.f32 [tilespmem:s9], [sflag:$0x1], $0x1, s3, s12, $0xb8;
	[tilespmem:$0x19F70] =	vst v63  }
0x86: {  	_ =	swait.ge [sflag:s6], $0xC350  }
0x87: {  	[sflag:s6] =	ssyncset.done $0x0  }
0x88: {  	[sflag:s6] =	ssyncadd.s32 $0xFFFF3CB0  }
0x89: {  	[tilespmem:s3], [sflag:$0x1] =	stream.linear.gather [hbm4b:s15+s3], $0xC350, $0x38;
	[tilespmem:$0x19F70] =	vst v63  }
0x8a: {  	_ =	swait.ge [sflag:s6], $0xC350  }
0x8b: {  	[sflag:s6] =	ssyncset.done $0x0  }
0x8c: {  	[sflag:s6] =	ssyncadd.s32 $0xFFFF3CB0  }
0x8d: {  	[spmem:s1] =	stream.indirect.scatter.add.f32 [tilespmem:s9], [sflag:$0x1], $0x1, s3, s12, $0xb8;
	[tilespmem:$0x19F70] =	vst v63  }
0x8e: {  	_ =	swait.ge [sflag:s6], $0xC350  }
0x8f: {  	[sflag:s6] =	ssyncset.done $0x0  }
0x90: {  	[sflag:s6] =	ssyncadd.s32 $0xFFFF3CB0  }
0x91: {  	[tilespmem:s3], [sflag:$0x1] =	stream.linear.gather [hbm4b:s13+s3], $0xC350, $0x38;
	[tilespmem:$0x19F70] =	vst v63  }
0x92: {  	_ =	swait.ge [sflag:s6], $0xC350  }
0x93: {  	[sflag:s6] =	ssyncset.done $0x0  }
0x94: {  	[sflag:s6] =	ssyncadd.s32 $0xFFFF3CB0  }
0x95: {  	[spmem:s1] =	stream.indirect.scatter.add.f32 [tilespmem:s9], [sflag:$0x1], $0x1, s3, s12, $0xb8;
	[tilespmem:$0x19F70] =	vst v63  }
0x96: {  	_ =	swait.ge [sflag:s6], $0xC350  }
0x97: {  	[sflag:s6] =	ssyncset.done $0x0  }
0x98: {  	[sflag:s6] =	ssyncadd.s32 $0xFFFF3CB0  }
0x99: {  	[tilespmem:s3], [sflag:$0x1] =	stream.linear.gather [hbm4b:s8+s3], $0xC350, $0x38;
	[tilespmem:$0x19F70] =	vst v63  }
0x9a: {  	_ =	swait.ge [sflag:s6], $0xC350  }
0x9b: {  	[sflag:s6] =	ssyncset.done $0x0  }
0x9c: {  	[sflag:s6] =	ssyncadd.s32 $0xFFFF3CB0  }
0x9d: {  	[spmem:s1] =	stream.indirect.scatter.add.f32 [tilespmem:s9], [sflag:$0x1], $0x1, s3, s12, $0xb8;
	[tilespmem:$0x19F70] =	vst v63  }
0x9e: {  	_ =	swait.ge [sflag:s6], $0xC350  }
0x9f: {  	[sflag:s6] =	ssyncset.done $0x0  }
0xa0: {  	[sflag:s6] =	ssyncadd.s32 $0xFFFF3CB0  }
0xa1: {  	s1 =	simm.s32 @!p2 $0x1;
	[bflag:$0x0] =	sbarrier.arrive $0xFFFF  }
0xa2: {  	[hbm:s4], [sflag:s7] =	dma.local @!p2 [spmem:s10], $0x30E0  }
0xa3: {  	_ =	swait.ge @!p2 [sflag:s1], $0x30E0  }
0xa4: {  	[sflag:s1] =	ssyncset.done @!p2 $0x0  }
0xa5: {  	s3 =	simm.s32 @p0 $0x1;
	[sflag:s1] =	ssyncadd.s32 @!p2 $0xFFFFCF20;
	s1 =	simm.s32 @p0 $0x1C01  }
0xa6: {  	[hbm:s2], [sflag:s1] =	dma.local @p0 [spmem:s5], $0x30E0  }
0xa7: {  	_ =	swait.ge @p0 [sflag:s3], $0x30E0  }
0xa8: {  	[sflag:s3] =	ssyncset.done @p0 $0x0  }
0xa9: {  	[sflag:s3] =	ssyncadd.s32 @p0 $0xFFFFCF20  }
0xaa: {  	_ =	sfence.sel $0x180000  }
0xab: {  	[bflag:$0x0] =	sbarrier.arrive $0xFFFF  }
0xac: {  	_ =	strace $0x9000004A  }
0xad: {  	s0 =	sadd.s32 @!p1 $0x100000, s0;
	[bflag:$0x2] =	sbarrier.arrive $0xFFFF  }
0xae: {  	[sflag:s0] =	ssyncadd.tile.s32 @!p1 $0x1;
	_ =	shalt  }
.Lfunc_end2:
_tile_overlayer_lowered:
.L_overlay_start_2:
0xaf: {  	(tag) =	ssettag $0x2  }
0xb0: {  	s0 =	rddreg [dreg:$0x0];
	s2 =	stileid.u32  }
0xb1: {  	s1 =	rddreg [dreg:$0x1];
	p0 =	sne.s32 s2, $0x0  }
0xb2: {  	s3 =	rddreg [dreg:$0x2];
	[bflag:$0x3] =	sbarrier.arrive $0xFFFF;
	s2 =	simm.s32 @!p0 $0x1C01  }
0xb3: {  	[timem:s3], [sflag:s2] =	dma.local @!p0 [hbm:s0], s1  }
0xb4: {  	s0 =	simm.s32 @!p0 $0x1  }
0xb5: {  	_ =	swait.ge @!p0 [sflag:s0], s1  }
0xb6: {  	s1 =	ssub.s32 @!p0 $0x0, s1;
	[sflag:s0] =	ssyncset.done @!p0 $0x0  }
0xb7: {  	[sflag:s0] =	ssyncadd.s32 @!p0 s1  }
0xb8: {  	[bflag:$0x3] =	sbarrier.arrive $0xFFFF  }
0xb9: {  	_ =	shalt  }

// kernel: kernel.9.cloned.1.call-start
scs
__scs_entry_jumppad:
0x0: {  	(pc) =	sbr.rel $0x88, $3  }
0x1: {  	(tag) =	ssettag $0x0;
	lr =	simm.s32 $0x1  }
0x2: {  	[smem:$0x3F9D] =	sst lr;
	_ =	strace $0xD0000000  }
0x3: {  	_ = 	snop  }
0x4: {  	_ = 	snop  }
0x5: {  	_ = 	snop  }
0x6: {  	_ = 	snop  }
0x7: {  	_ = 	snop  }
__scs_overlays_trampoline_lowered:
0x8: {  	[smem:$0x3FAC] =	sst s0  }
0x9: {  	[smem:$0x3FAD] =	sst s1  }
0xa: {  	[smem:$0x3FAE] =	sst s2  }
0xb: {  	[smem:$0x3FAF] =	sst s3  }
0xc: {  	[smem:$0x3FB0] =	sst s4  }
0xd: {  	[smem:$0x3FB1] =	sst s5  }
0xe: {  	[smem:$0x3FB2] =	sst s6  }
0xf: {  	[smem:$0x3FB3] =	sst s7  }
0x10: {  	[smem:$0x3FB4] =	sst s8  }
0x11: {  	[smem:$0x3FB5] =	sst s9;
	s0 =	simm.s32 @!p0 $0x0  }
0x12: {  	s1 =	sld [smem:$0x3F9B];
	s0 =	simm.s32 @p0 $0x1  }
0x13: {  	[smem:$0x3FB6] =	sst s0;
	s0 =	simm.s32 @!p1 $0x0  }
0x14: {  	s2 =	sld [smem:$0x3F9A];
	s0 =	simm.s32 @p1 $0x1  }
0x15: {  	[smem:$0x3FB7] =	sst s0;
	s0 =	simm.s32 @!p2 $0x0  }
0x16: {  	s3 =	sld [smem:$0x3FDB];
	s0 =	simm.s32 @p2 $0x1  }
0x17: {  	s4 =	simm.s32 $0x1BF5;
	[smem:$0x3FB9] =	sst s0  }
0x18: {  	s0 =	sld [smem:$0x3F9C];
	_ =	swait.ge [sflag:s4], $0x0  }
0x19: {  	s7 =	sld [smem:$0x3F9D]  }
0x1a: {  	s8 =	sadd.s32 $0xFFFFE003, lr  }
0x1b: {  	s9 =	sadd.s32 $0xFFFFFEF7, lr;
	s5 =	simm.s32 $0xFFFFFFFF;
	p2 =	slt.u32 s8, $0xFFFFF086  }
0x1c: {  	p1 =	slt.u32 s9, $0xF7A;
	s5 =	simm.s32 @!p2 $0x0  }
0x1d: {  	s5 =	simm.s32 @p1 $0x1;
	p0 =	seq.s32 s7, s2  }
0x1e: {  	s7 =	smul.u32 @!p0 $0xF7A, s2;
	p2 =	seq.s32 @!p0 s5, $0x0  }
0x1f: {  	s9 =	smul.u32 $0xF7A, s1;
	s8 =	simm.s32 @!p0 $0x1BF5;
	p2 =	por !p2, p0  }
0x20: {  	[sflag:s8] =	ssyncset.s32 @!p0 $0xFFFFF086;
	s6 =	sadd.s32 @!p0 s3, s7;
	s7 =	simm.s32 @!p0 $0x108  }
0x21: {  	s3 =	sadd.s32 s3, s9;
	s6 =	sadd.s32 @!p0 $0x88, s6;
	s7 =	simm.s32 @p2 $0x1082  }
0x22: {  	[simem:s7], [sflag:s8] =	dma.local @!p0 [hbm:s6], $0xF7A  }
0x23: {  	s9 =	sor.u32 $0xD0000000, s2;
	s6 =	simm.s32 $0x108;
	_ =	swait.ge @!p0 [sflag:s8], $0x0  }
0x24: {  	s3 =	sadd.s32 $0x88, s3;
	s6 =	simm.s32 @!p1 $0x1082;
	[sflag:s4] =	ssyncset.s32 $0xFFFFF086  }
0x25: {  	[simem:s6], [sflag:s4] =	dma.local [hbm:s3], $0xF7A  }
0x26: {  	[smem:$0x3F9D] =	sst s1;
	(tag) =	ssettag s2;
	_ =	strace s9  }
0x27: {  	s1 =	sld [smem:$0x3FAD]  }
0x28: {  	s2 =	sld [smem:$0x3FAE]  }
0x29: {  	s4 =	sld [smem:$0x3FB0]  }
0x2a: {  	p0 =	seq.s32 s5, $0x0;
	s5 =	sld [smem:$0x3FB1]  }
0x2b: {  	s6 =	sld [smem:$0x3FB2]  }
0x2c: {  	s7 =	sld [smem:$0x3FB3]  }
0x2d: {  	s3 =	simm.s32 $0x108;
	s8 =	sld [smem:$0x3FB4]  }
0x2e: {  	s3 =	simm.s32 @!p0 $0x1082;
	s9 =	sld [smem:$0x3FB5]  }
0x2f: {  	lr =	sadd.s32 s0, s3;
	s0 =	sld [smem:$0x3FAC]  }
0x30: {  	s3 =	sld [smem:$0x3FAF]  }
0x31: {  	[smem:$0x3FB8] =	sst s10  }
0x32: {  	s10 =	sld [smem:$0x3FB6];
	_ =	sdelay $0x3  }
0x33: {  	p0 =	seq.s32 s10, $0x1;
	s10 =	sld [smem:$0x3FB8];
	_ =	sdelay $0x3  }
0x34: {  	[smem:$0x3FB8] =	sst s10  }
0x35: {  	s10 =	sld [smem:$0x3FB7];
	_ =	sdelay $0x3  }
0x36: {  	p1 =	seq.s32 s10, $0x1;
	s10 =	sld [smem:$0x3FB8];
	_ =	sdelay $0x3  }
0x37: {  	[smem:$0x3FB8] =	sst s10  }
0x38: {  	s10 =	sld [smem:$0x3FB9]  }
0x39: {  	_ = 	snop;
	(pc) =	sbr.ind lr, $3  }
0x3a: {  	_ = 	snop  }
0x3b: {  	_ = 	snop  }
0x3c: {  	p2 =	seq.s32 s10, $0x1;
	s10 =	sld [smem:$0x3FB8]  }
0x3d: {  	_ =	shalt  }
0x3e: {  	_ =	shalt  }
0x3f: {  	_ =	shalt  }
0x40: {  	_ =	shalt  }
0x41: {  	_ =	shalt  }
0x42: {  	_ =	shalt  }
0x43: {  	_ =	shalt  }
0x44: {  	_ =	shalt  }
0x45: {  	_ =	shalt  }
0x46: {  	_ =	shalt  }
0x47: {  	_ =	shalt  }
0x48: {  	_ =	shalt  }
0x49: {  	_ =	shalt  }
0x4a: {  	_ =	shalt  }
0x4b: {  	_ =	shalt  }
0x4c: {  	_ =	shalt  }
0x4d: {  	_ =	shalt  }
0x4e: {  	_ =	shalt  }
0x4f: {  	_ =	shalt  }
0x50: {  	_ =	shalt  }
0x51: {  	_ =	shalt  }
0x52: {  	_ =	shalt  }
0x53: {  	_ =	shalt  }
0x54: {  	_ =	shalt  }
0x55: {  	_ =	shalt  }
0x56: {  	_ =	shalt  }
0x57: {  	_ =	shalt  }
0x58: {  	_ =	shalt  }
0x59: {  	_ =	shalt  }
0x5a: {  	_ =	shalt  }
0x5b: {  	_ =	shalt  }
0x5c: {  	_ =	shalt  }
0x5d: {  	_ =	shalt  }
0x5e: {  	_ =	shalt  }
0x5f: {  	_ =	shalt  }
0x60: {  	_ =	shalt  }
0x61: {  	_ =	shalt  }
0x62: {  	_ =	shalt  }
0x63: {  	_ =	shalt  }
0x64: {  	_ =	shalt  }
0x65: {  	_ =	shalt  }
0x66: {  	_ =	shalt  }
0x67: {  	_ =	shalt  }
0x68: {  	_ =	shalt  }
0x69: {  	_ =	shalt  }
0x6a: {  	_ =	shalt  }
0x6b: {  	_ =	shalt  }
0x6c: {  	_ =	shalt  }
0x6d: {  	_ =	shalt  }
0x6e: {  	_ =	shalt  }
0x6f: {  	_ =	shalt  }
0x70: {  	_ =	shalt  }
0x71: {  	_ =	shalt  }
0x72: {  	_ =	shalt  }
0x73: {  	_ =	shalt  }
0x74: {  	_ =	shalt  }
0x75: {  	_ =	shalt  }
0x76: {  	_ =	shalt  }
0x77: {  	_ =	shalt  }
0x78: {  	_ =	shalt  }
0x79: {  	_ =	shalt  }
0x7a: {  	_ =	shalt  }
0x7b: {  	_ =	shalt  }
0x7c: {  	_ =	shalt  }
0x7d: {  	_ =	shalt  }
0x7e: {  	_ =	shalt  }
0x7f: {  	_ =	shalt  }
0x80: {  	_ =	shalt  }
0x81: {  	_ =	shalt  }
0x82: {  	_ =	shalt  }
0x83: {  	_ =	shalt  }
0x84: {  	_ =	shalt  }
0x85: {  	_ =	shalt  }
0x86: {  	_ =	shalt  }
0x87: {  	_ =	shalt  }
.Lfunc_end0:
.L_simem_size_0:
called_computation.2_lowered:
.L_overlay_start_0:
0x88: {  	s2 =	sld [smem:$0x3FD9]  }
0x89: {  	s3 =	sld [smem:$0x3FFE];
	_ =	sdelay $0x1  }
0x8a: {  	s1 =	srdreg.scid  }
0x8b: {  	s0 =	sand.u32 $0x1, s1  }
0x8c: {  	s14 =	sshll.u32 s0, $0xA;
	s2 =	sadd.s32 s3, s2  }
0x8d: {  	s2 =	sadd.s32 s2, s14  }
0x8e: {  	[smem:$0x3FC4] =	sst s2  }
0x8f: {  	_ = 	snop  }
0x90: {  	s2 =	sld [smem:$0x3FD0];
	_ =	sdelay $0x2  }
0x91: {  	s15 =	simm.s32 $0xA;
	s4 =	simm.s32 $0x10  }
0x92: {  	[smem:s4], [sflag:s15] =	dma.local [hbm:s2], $0x1  }
0x93: {  	_ =	swait.eq [sflag:s15], $0x1  }
0x94: {  	[sflag:s15] =	ssyncset.done $0x0  }
0x95: {  	[sflag:s15] =	ssyncadd.s32 $0xFFFFFFFF  }
0x96: {  	s16 =	sld [smem:$0x10];
	(tm) =	ssettm $0x1  }
0x97: {  	s17 =	sld [smem:$0x3FFB];
	_ =	sdelay $0x3  }
0x98: {  	_ =	strace s17  }
0x99: {  	s3 =	sld [smem:$0x3FFC];
	_ =	sdelay $0x3  }
0x9a: {  	_ =	strace s3  }
0x9b: {  	s3 =	sld [smem:$0x3FFD];
	_ =	sdelay $0x3  }
0x9c: {  	_ =	strace s3  }
0x9d: {  	_ =	strace $0x8FFFFFFF  }
0x9e: {  	s18 =	sld [smem:$0x3FDB];
	_ =	sdelay $0x1  }
0x9f: {  	s19 =	simm.s32 $_scs_section_size  }
0xa0: {  	s5 =	simm.s32 $_size__tile_overlayer_lowered;
	s6 =	simm.s32 $_tile_overlayer_lowered  }
0xa1: {  	s22 =	simm.s32 $0x1BFF;
	s21 =	sshll.u32 s6, $0x1;
	s3 =	sadd.s32 s19, s18  }
0xa2: {  	s7 =	simm.s32 $0x0;
	s20 =	sshll.u32 s5, $0x1;
	s5 =	sadd.s32 s21, s3  }
0xa3: {  	[timem:s7], [sflag:s22] =	dma.local [hbm:s5], s20  }
0xa4: {  	_ =	swait.ge [sflag:s22], s20  }
0xa5: {  	s4 =	ssub.s32 $0x0, s20;
	[sflag:s22] =	ssyncset.done $0x0  }
0xa6: {  	[sflag:s22] =	ssyncadd.s32 s4;
	_ =	sdelay $0x1  }
0xa7: {  	s23 =	simm.s32 $0x1B8B  }
0xa8: {  	_ =	swait.ge [sflag:s23], $0x1  }
0xa9: {  	[sflag:s23] =	ssyncset.done $0x0  }
0xaa: {  	s25 =	simm.s32 $0x1B8E;
	s24 =	sld [smem:$0x3FFE];
	[sflag:s23] =	ssyncadd.s32 $0xFFFFFFFF  }
0xab: {  	s26 =	simm.s32 $execute0_lowered;
	[smem:$0x3FD2] =	sst s25  }
0xac: {  	s5 =	sshll.u32 s26, $0x1;
	_ =	strace $0x8000004C;
	[dreg:$0x1] =	wrdreg $0xFFFFFFFF  }
0xad: {  	s28 =	simm.s32 $_size_execute0_lowered;
	s3 =	sadd.s32 s3, s5;
	[dreg:$0x0] =	wrdreg $0x0  }
0xae: {  	s5 =	sshll.u32 s28, $0x1;
	[dreg:$0x2] =	wrdreg s3  }
0xaf: {  	[dreg:$0x3] =	wrdreg s5  }
0xb0: {  	[dreg:$0x4] =	wrdreg $0xC0  }
0xb1: {  	_ =	task [dreg:s7], $0x5FFFF  }
0xb2: {  	[dreg:$0x1] =	wrdreg $0xFFFFFFFF  }
0xb3: {  	[dreg:$0x0] =	wrdreg $0x60  }
0xb4: {  	[dreg:$0x2] =	wrdreg s24  }
0xb5: {  	[dreg:$0x3] =	wrdreg s16  }
0xb6: {  	[dreg:$0x4] =	wrdreg $0x188000  }
0xb7: {  	[dreg:$0x5] =	wrdreg $0x1A0700  }
0xb8: {  	[dreg:$0x6] =	wrdreg $0x1B8E00  }
0xb9: {  	[dreg:$0x7] =	wrdreg $0x1D1500  }
0xba: {  	[dreg:$0x8] =	wrdreg $0x9  }
0xbb: {  	_ =	task.clear_ibuf [dreg:s7], $0x9FFFF;
	_ =	strace $0x9000004C  }
0xbc: {  	s29 =	simm.s32 $0x9;
	_ =	strace $0x8000004E  }
0xbd: {  	_ =	swait.ge [sflag:s29], $0x1  }
0xbe: {  	[sflag:s29] =	ssyncadd.s32 $0xFFFFFFFF  }
0xbf: {  	_ =	strace $0x9000004E  }
0xc0: {  	_ =	sfence  }
0xc1: {  	s30 =	sld [smem:$0x0];
	_ =	sdelay $0x2  }
0xc2: {  	s31 =	sshll.u32 s1, $0xD;
	s1 =	sshrl.u32 s1, $0x2  }
0xc3: {  	s3 =	sand.u32 $0x4000, s31;
	s1 =	sadd.s32 s1, s30  }
0xc4: {  	s0 =	sor.u32 s3, s0;
	s1 =	sshll.u32 s1, $0x11  }
0xc5: {  	s0 =	sor.u32 s1, s0  }
0xc6: {  	s0 =	sadd.s32 $0x8F2B, s0  }
0xc7: {  	[sflag:s0] =	ssyncadd.remote.s32 $0x1  }
0xc8: {  	_ =	sfence.sel $0xFFFF  }
0xc9: {  	[dreg:$0x0] =	wrdreg $0xFFFFFFFF;
	(pc) =	sbr.abs _section_cstart, $3  }
0xca: {  	[dreg:$0x1] =	wrdreg $0xFFFFFFFF  }
0xcb: {  	_ =	task.clear_ibuf [dreg:s7], $0x2FFFF;
	_ =	strace $0x9FFFFFFF  }
0xcc: {  	(tm) =	ssettm $0x7FFFFFFF  }
0xcd: {  	_ =	shalt  }
tec
execute0_lowered:
.L_overlay_start_1:
0x0: {  	(tag) =	ssettag $0x1  }
0x1: {  	s13 =	rddreg [dreg:$0x0]  }
0x2: {  	s1 =	rddreg [dreg:$0x1]  }
0x3: {  	s2 =	rddreg [dreg:$0x2]  }
0x4: {  	s3 =	rddreg [dreg:$0x3]  }
0x5: {  	s4 =	rddreg [dreg:$0x4]  }
0x6: {  	s5 =	rddreg [dreg:$0x5];
	s6 =	simm.s32 $0x0  }
0x7: {  	s11 =	srdreg.scid;
	s0 =	stileid.u32;
	s21 =	simm.s32 $0x6200  }
0x8: {  	s22 =	simm.s32 $0x1;
	s23 =	simm.s32 $0x2;
	s24 =	simm.s32 $0x61A8  }
0x9: {  	s26 =	simm.s32 $0x12600;
	[smem:$0x7FF] =	sst s6;
	s7 =	sadd.s32 $0x188200, s13  }
0xa: {  	s28 =	simm.s32 $0x0;
	s8 =	sadd.s32 $0x18B400, s13;
	s9 =	sadd.s32 $0x18E600, s13  }
0xb: {  	s10 =	sadd.s32 $0x191800, s13;
	s14 =	sand.u32 $0x1, s11;
	s11 =	sadd.s32 $0x194A00, s13  }
0xc: {  	s16 =	sadd.s32 $0x1800, s13;
	s13 =	sadd.s32 $0x197C00, s13;
	s18 =	smul.u32 $0x30D40, s0  }
0xd: {  	p0 =	seq.s32 s0, $0x0;
	_ =	strace $0x8000004D;
	s15 =	smul.u32 $0x30D400, s14  }
0xe: {  	s17 =	ssub.s32 $0x2, s14;
	p1 =	seq.s32 s14, $0x1;
	s25 =	sor.u32 s14, s0  }
0xf: {  	s19 =	sshrl.u32 s17, $0x1;
	p0 =	por !p0, !p1;
	p1 =	sne.s32 s0, $0x0  }
0x10: {  	p2 =	sne.s32 s25, $0x0;
	s25 =	simm.s32 $0xC400;
	s17 =	ssub.s32 s17, s19  }
0x11: {  	s15 =	sadd.s32 s18, s15;
	p0 =	por !p0, !p0;
	s19 =	sshrl.u32 @!p1 s4, $0x3  }
0x12: {  	s20 =	sshrl.u32 @!p1 s5, $0x3;
	s18 =	sadd.s32 $0x61A800, s15;
	s14 =	smax.u32 s17, $0x1  }
0x13: {  	s15 =	sshrl.u32 s15, $0x3;
	s17 =	sshrl.u32 @!p1 s2, $0x3;
	s31 =	sshrl.u32 s18, $0x3  }
0x14: {  	s15 =	sadd.s32 s15, s16;
	s18 =	sshrl.u32 @!p1 s3, $0x3;
	s16 =	sadd.s32 s31, s16  }
.LBB2_1:
0x15: {  	s29 =	simm.s32 @!p1 $0x1C01;
	s30 =	simm.s32 @!p1 $0x1C02;
	s31 =	simm.s32 @!p1 $0x1  }
0x16: {  	[spmem:s17], [sflag:s29] =	dma.local @!p1 [hbm:s7], $0x30E0  }
0x17: {  	[spmem:s18], [sflag:s30] =	dma.local @!p1 [hbm:s8], $0x30E0  }
0x18: {  	_ =	swait.ge @!p1 [sflag:s31], $0x30E0  }
0x19: {  	[sflag:s31] =	ssyncset.done @!p1 $0x0  }
0x1a: {  	s0 =	simm.s32 @!p1 $0x2;
	[sflag:s31] =	ssyncadd.s32 @!p1 $0xFFFFCF20  }
0x1b: {  	_ =	swait.ge @!p1 [sflag:s0], $0x30E0  }
0x1c: {  	[sflag:s0] =	ssyncset.done @!p1 $0x0  }
0x1d: {  	[sflag:s0] =	ssyncadd.s32 @!p1 $0xFFFFCF20  }
0x1e: {  	[spmem:s19], [sflag:s29] =	dma.local @!p1 [hbm:s1], $0x30E0  }
0x1f: {  	[spmem:s20], [sflag:s30] =	dma.local @!p1 [hbm:s1], $0x30E0  }
0x20: {  	_ =	swait.ge @!p1 [sflag:s31], $0x30E0  }
0x21: {  	[sflag:s31] =	ssyncset.done @!p1 $0x0  }
0x22: {  	[sflag:s31] =	ssyncadd.s32 @!p1 $0xFFFFCF20  }
0x23: {  	_ =	swait.ge @!p1 [sflag:s0], $0x30E0  }
0x24: {  	[sflag:s0] =	ssyncset.done @!p1 $0x0  }
0x25: {  	[sflag:s0] =	ssyncadd.s32 @!p1 $0xFFFFCF20  }
0x26: {  	s12 =	sadd.s32 $0x0, s15;
	[bflag:$0x0] =	sbarrier.arrive $0xFFFF  }
0x27: {  	[tilespmem:s6], [sflag:$0x1] =	stream.linear.gather [hbm4b:s12+s6], $0x61A8, $0x38;
	[tilespmem:$0x1E9C0] =	vst v63  }
0x28: {  	s31 =	sadd.s32 $0x0, s16  }
0x29: {  	[tilespmem:s21], [sflag:$0x2] =	stream.linear.gather [hbm4b:s31+s6], $0x61A8, $0x38;
	[tilespmem:$0x1E9C0] =	vst v63  }
0x2a: {  	_ =	swait.ge [sflag:s22], $0x61A8  }
0x2b: {  	[sflag:s22] =	ssyncset.done $0x0  }
0x2c: {  	[sflag:s22] =	ssyncadd.s32 $0xFFFF9E58  }
0x2d: {  	_ =	swait.ge [sflag:s23], $0x61A8  }
0x2e: {  	[sflag:s23] =	ssyncset.done $0x0  }
0x2f: {  	[sflag:s23] =	ssyncadd.s32 $0xFFFF9E58  }
0x30: {  	[tilespmem:s25], [sflag:$0x1] =	stream.indirect.gather [spmem:s2], $0x1, s6, s24, $0xb8;
	[tilespmem:$0x1E9C0] =	vst v63  }
0x31: {  	_ = 	snop  }
0x32: {  	[tilespmem:s26], [sflag:$0x2] =	stream.indirect.gather [spmem:s3], $0x1, s6, s24, $0xb8;
	[tilespmem:$0x1E9C0] =	vst v63  }
0x33: {  	_ =	swait.ge [sflag:s22], $0x61A8  }
0x34: {  	[sflag:s22] =	ssyncset.done $0x0  }
0x35: {  	[sflag:s22] =	ssyncadd.s32 $0xFFFF9E58  }
0x36: {  	_ =	swait.ge [sflag:s23], $0x61A8  }
0x37: {  	[sflag:s23] =	ssyncset.done $0x0  }
0x38: {  	[sflag:s23] =	ssyncadd.s32 $0xFFFF9E58  }
0x39: {  	[spmem:s4] =	stream.indirect.scatter.add.f32 [tilespmem:s25], [sflag:$0x1], $0x1, s21, s24, $0xb8;
	[tilespmem:$0x1E9C0] =	vst v63  }
0x3a: {  	_ = 	snop  }
0x3b: {  	[spmem:s5] =	stream.indirect.scatter.add.f32 [tilespmem:s26], [sflag:$0x2], $0x1, s21, s24, $0xb8;
	[tilespmem:$0x1E9C0] =	vst v63  }
0x3c: {  	_ =	swait.ge [sflag:s22], $0x61A8  }
0x3d: {  	[sflag:s22] =	ssyncset.done $0x0  }
0x3e: {  	[sflag:s22] =	ssyncadd.s32 $0xFFFF9E58  }
0x3f: {  	_ =	swait.ge [sflag:s23], $0x61A8  }
0x40: {  	s29 =	simm.s32 $0xC35;
	s30 =	simm.s32 $0x186A;
	[sflag:s23] =	ssyncset.done $0x0  }
.LBB2_2:
0x41: {  	s0 =	sadd.s32 s29, s15  }
0x42: {  	[sflag:s23] =	ssyncadd.s32 $0xFFFF9E58;
	s31 =	smov.u32 s30;
	s12 =	sadd.s32 $0xC35, s30  }
0x43: {  	[tilespmem:s6], [sflag:$0x1] =	stream.linear.gather [hbm4b:s0+s6], $0x61A8, $0x38;
	[tilespmem:$0x1E9C0] =	vst v63  }
0x44: {  	p3 =	sne.s32 s30, $0x5573;
	s0 =	sadd.s32 s29, s16;
	s29 =	smov.u32 s31  }
0x45: {  	[tilespmem:s21], [sflag:$0x2] =	stream.linear.gather [hbm4b:s0+s6], $0x61A8, $0x38;
	[tilespmem:$0x1E9C0] =	vst v63  }
0x46: {  	_ =	swait.ge [sflag:s22], $0x61A8  }
0x47: {  	[sflag:s22] =	ssyncset.done $0x0  }
0x48: {  	[sflag:s22] =	ssyncadd.s32 $0xFFFF9E58  }
0x49: {  	_ =	swait.ge [sflag:s23], $0x61A8  }
0x4a: {  	[sflag:s23] =	ssyncset.done $0x0  }
0x4b: {  	[sflag:s23] =	ssyncadd.s32 $0xFFFF9E58  }
0x4c: {  	[tilespmem:s25], [sflag:$0x1] =	stream.indirect.gather [spmem:s2], $0x1, s6, s24, $0xb8;
	[tilespmem:$0x1E9C0] =	vst v63  }
0x4d: {  	_ = 	snop  }
0x4e: {  	[tilespmem:s26], [sflag:$0x2] =	stream.indirect.gather [spmem:s3], $0x1, s6, s24, $0xb8;
	[tilespmem:$0x1E9C0] =	vst v63  }
0x4f: {  	_ =	swait.ge [sflag:s22], $0x61A8  }
0x50: {  	[sflag:s22] =	ssyncset.done $0x0  }
0x51: {  	[sflag:s22] =	ssyncadd.s32 $0xFFFF9E58  }
0x52: {  	_ =	swait.ge [sflag:s23], $0x61A8  }
0x53: {  	[sflag:s23] =	ssyncset.done $0x0  }
0x54: {  	[sflag:s23] =	ssyncadd.s32 $0xFFFF9E58  }
0x55: {  	[spmem:s4] =	stream.indirect.scatter.add.f32 [tilespmem:s25], [sflag:$0x1], $0x1, s21, s24, $0xb8;
	[tilespmem:$0x1E9C0] =	vst v63  }
0x56: {  	_ = 	snop  }
0x57: {  	[spmem:s5] =	stream.indirect.scatter.add.f32 [tilespmem:s26], [sflag:$0x2], $0x1, s21, s24, $0xb8;
	[tilespmem:$0x1E9C0] =	vst v63  }
.Ltmp0:
0x58: {  	_ =	swait.ge [sflag:s22], $0x61A8;
	(pc) =	sbr.rel @p3 .LBB2_2-.Ltmp0, $4  }
0x59: {  	[sflag:s22] =	ssyncset.done $0x0  }
0x5a: {  	[sflag:s22] =	ssyncadd.s32 $0xFFFF9E58  }
0x5b: {  	_ =	swait.ge [sflag:s23], $0x61A8  }
0x5c: {  	s30 =	smov.u32 s12;
	[sflag:s23] =	ssyncset.done $0x0  }
0x5d: {  	s0 =	sadd.s32 s29, s15;
	[sflag:s23] =	ssyncadd.s32 $0xFFFF9E58  }
0x5e: {  	[tilespmem:s6], [sflag:$0x1] =	stream.linear.gather [hbm4b:s0+s6], $0x61A8, $0x38;
	[tilespmem:$0x1E9C0] =	vst v63  }
0x5f: {  	s31 =	sadd.s32 s29, s16  }
0x60: {  	[tilespmem:s21], [sflag:$0x2] =	stream.linear.gather [hbm4b:s31+s6], $0x61A8, $0x38;
	[tilespmem:$0x1E9C0] =	vst v63  }
0x61: {  	_ =	swait.ge [sflag:s22], $0x61A8  }
0x62: {  	[sflag:s22] =	ssyncset.done $0x0  }
0x63: {  	[sflag:s22] =	ssyncadd.s32 $0xFFFF9E58  }
0x64: {  	_ =	swait.ge [sflag:s23], $0x61A8  }
0x65: {  	[sflag:s23] =	ssyncset.done $0x0  }
0x66: {  	[sflag:s23] =	ssyncadd.s32 $0xFFFF9E58  }
0x67: {  	[tilespmem:s25], [sflag:$0x1] =	stream.indirect.gather [spmem:s2], $0x1, s6, s24, $0xb8;
	[tilespmem:$0x1E9C0] =	vst v63  }
0x68: {  	_ = 	snop  }
0x69: {  	[tilespmem:s26], [sflag:$0x2] =	stream.indirect.gather [spmem:s3], $0x1, s6, s24, $0xb8;
	[tilespmem:$0x1E9C0] =	vst v63  }
0x6a: {  	_ =	swait.ge [sflag:s22], $0x61A8  }
0x6b: {  	[sflag:s22] =	ssyncset.done $0x0  }
0x6c: {  	[sflag:s22] =	ssyncadd.s32 $0xFFFF9E58  }
0x6d: {  	_ =	swait.ge [sflag:s23], $0x61A8  }
0x6e: {  	[sflag:s23] =	ssyncset.done $0x0  }
0x6f: {  	[sflag:s23] =	ssyncadd.s32 $0xFFFF9E58  }
0x70: {  	[spmem:s4] =	stream.indirect.scatter.add.f32 [tilespmem:s25], [sflag:$0x1], $0x1, s21, s24, $0xb8;
	[tilespmem:$0x1E9C0] =	vst v63  }
0x71: {  	_ = 	snop  }
0x72: {  	[spmem:s5] =	stream.indirect.scatter.add.f32 [tilespmem:s26], [sflag:$0x2], $0x1, s21, s24, $0xb8;
	[tilespmem:$0x1E9C0] =	vst v63  }
0x73: {  	_ =	swait.ge [sflag:s22], $0x61A8  }
0x74: {  	[sflag:s22] =	ssyncset.done $0x0  }
0x75: {  	[sflag:s22] =	ssyncadd.s32 $0xFFFF9E58  }
0x76: {  	_ =	swait.ge [sflag:s23], $0x61A8  }
0x77: {  	s0 =	stileid.u32;
	[sflag:s23] =	ssyncset.done $0x0  }
0x78: {  	s0 =	sshll.u32 @!p2 s0, $0x6;
	[sflag:s23] =	ssyncadd.s32 $0xFFFF9E58  }
0x79: {  	s12 =	sshrl.u32 @!p2 s4, $0x3;
	s0 =	sor.u32 @!p2 $0x1C03, s0;
	[bflag:$0x0] =	sbarrier.arrive $0xFFFF  }
0x7a: {  	[hbm:s9], [sflag:s0] =	dma.local @!p2 [spmem:s12], $0x30E0  }
0x7b: {  	s12 =	simm.s32 @!p2 $0x3  }
0x7c: {  	_ =	swait.ge @!p2 [sflag:s12], $0x30E0  }
0x7d: {  	[sflag:s12] =	ssyncset.done @!p2 $0x0  }
0x7e: {  	s29 =	sshrl.u32 @!p2 s5, $0x3;
	[sflag:s12] =	ssyncadd.s32 @!p2 $0xFFFFCF20  }
0x7f: {  	[hbm:s10], [sflag:s0] =	dma.local @!p2 [spmem:s29], $0x30E0  }
0x80: {  	_ =	swait.ge @!p2 [sflag:s12], $0x30E0  }
0x81: {  	[sflag:s12] =	ssyncset.done @!p2 $0x0  }
0x82: {  	s0 =	sshrl.u32 @p0 s4, $0x3;
	[sflag:s12] =	ssyncadd.s32 @!p2 $0xFFFFCF20;
	s12 =	simm.s32 @p0 $0x1C03  }
0x83: {  	[hbm:s11], [sflag:s12] =	dma.local @p0 [spmem:s0], $0x30E0  }
0x84: {  	s0 =	simm.s32 @p0 $0x3  }
0x85: {  	s28 =	sadd.s32 $0x1, s28;
	_ =	swait.ge @p0 [sflag:s0], $0x30E0  }
0x86: {  	p3 =	sne.s32 s28, s14;
	[sflag:s0] =	ssyncset.done @p0 $0x0  }
.Ltmp1:
0x87: {  	s29 =	sshrl.u32 @p0 s5, $0x3;
	[sflag:s0] =	ssyncadd.s32 @p0 $0xFFFFCF20;
	(pc) =	sbr.rel @p3 .LBB2_1-.Ltmp1, $4  }
0x88: {  	[hbm:s13], [sflag:s12] =	dma.local @p0 [spmem:s29], $0x30E0  }
0x89: {  	_ =	swait.ge @p0 [sflag:s0], $0x30E0  }
0x8a: {  	[sflag:s0] =	ssyncset.done @p0 $0x0  }
0x8b: {  	[sflag:s0] =	ssyncadd.s32 @p0 $0xFFFFCF20  }
0x8c: {  	_ =	sfence.sel $0x180000  }
0x8d: {  	[bflag:$0x0] =	sbarrier.arrive $0xFFFF  }
0x8e: {  	_ =	strace $0x9000004D  }
0x8f: {  	[bflag:$0x2] =	sbarrier.arrive $0xFFFF  }
0x90: {  	s0 =	rddreg [dreg:$0x6]  }
0x91: {  	s0 =	sadd.s32 @!p1 $0x100000, s0  }
0x92: {  	[sflag:s0] =	ssyncadd.tile.s32 @!p1 $0x1;
	_ =	shalt  }
.Lfunc_end2:
_tile_overlayer_lowered:
.L_overlay_start_2:
0x93: {  	(tag) =	ssettag $0x2  }
0x94: {  	s0 =	rddreg [dreg:$0x0];
	s2 =	stileid.u32  }
0x95: {  	s1 =	rddreg [dreg:$0x1];
	p0 =	sne.s32 s2, $0x0  }
0x96: {  	s3 =	rddreg [dreg:$0x2];
	[bflag:$0x3] =	sbarrier.arrive $0xFFFF;
	s2 =	simm.s32 @!p0 $0x1C03  }
0x97: {  	[timem:s3], [sflag:s2] =	dma.local @!p0 [hbm:s0], s1  }
0x98: {  	s0 =	simm.s32 @!p0 $0x3  }
0x99: {  	_ =	swait.ge @!p0 [sflag:s0], s1  }
0x9a: {  	s1 =	ssub.s32 @!p0 $0x0, s1;
	[sflag:s0] =	ssyncset.done @!p0 $0x0  }
0x9b: {  	[sflag:s0] =	ssyncadd.s32 @!p0 s1  }
0x9c: {  	[bflag:$0x3] =	sbarrier.arrive $0xFFFF  }
0x9d: {  	_ =	shalt  }

// kernel: sparse-core-data-format-call.cloned.1.call-start
scs
called_computation_lowered:
.L_overlay_start_0:
0x0: {  	s2 =	sld [smem:$0x3FD9]  }
0x1: {  	s3 =	sld [smem:$0x3FFE];
	_ =	sdelay $0x1  }
0x2: {  	s1 =	srdreg.scid  }
0x3: {  	s0 =	sand.u32 $0x1, s1  }
0x4: {  	s18 =	sshll.u32 s0, $0xA;
	s2 =	sadd.s32 s3, s2  }
0x5: {  	s2 =	sadd.s32 s2, s18  }
0x6: {  	[smem:$0x3FC4] =	sst s2  }
0x7: {  	_ = 	snop  }
0x8: {  	s2 =	sld [smem:$0x3FC8];
	(tm) =	ssettm $0x1  }
0x9: {  	s19 =	sld [smem:$0x3FFB];
	_ =	sdelay $0x3  }
0xa: {  	_ =	strace s19  }
0xb: {  	s3 =	sld [smem:$0x3FFC];
	_ =	sdelay $0x3  }
0xc: {  	_ =	strace s3  }
0xd: {  	s3 =	sld [smem:$0x3FFD];
	_ =	sdelay $0x3  }
0xe: {  	_ =	strace s3  }
0xf: {  	_ =	strace $0x8FFFFFFF  }
0x10: {  	s20 =	sld [smem:$0x3FDB];
	_ =	sdelay $0x1  }
0x11: {  	s4 =	simm.s32 $_scs_section_size  }
0x12: {  	s5 =	simm.s32 $_size__tile_overlayer_lowered;
	s6 =	simm.s32 $_tile_overlayer_lowered  }
0x13: {  	s23 =	simm.s32 $0x1BFF;
	s22 =	sshll.u32 s6, $0x1;
	s3 =	sadd.s32 s4, s20  }
0x14: {  	s7 =	simm.s32 $0x0;
	s21 =	sshll.u32 s5, $0x1;
	s5 =	sadd.s32 s22, s3  }
0x15: {  	[timem:s7], [sflag:s23] =	dma.local [hbm:s5], s21  }
0x16: {  	_ =	swait.ge [sflag:s23], s21  }
0x17: {  	s4 =	ssub.s32 $0x0, s21;
	[sflag:s23] =	ssyncset.done $0x0  }
0x18: {  	[sflag:s23] =	ssyncadd.s32 s4;
	_ =	sdelay $0x1  }
0x19: {  	s24 =	simm.s32 $0x1B8B  }
0x1a: {  	_ =	swait.ge [sflag:s24], $0x1  }
0x1b: {  	[sflag:s24] =	ssyncset.done $0x0  }
0x1c: {  	s26 =	simm.s32 $0x1B8E;
	s25 =	sld [smem:$0x3FFE];
	[sflag:s24] =	ssyncadd.s32 $0xFFFFFFFF  }
0x1d: {  	s27 =	simm.s32 $execute0_lowered;
	[smem:$0x3FD2] =	sst s26  }
0x1e: {  	s5 =	sshll.u32 s27, $0x1;
	_ =	strace $0x80000046;
	[dreg:$0x1] =	wrdreg $0xFFFFFFFF  }
0x1f: {  	s28 =	simm.s32 $_size_execute0_lowered;
	s3 =	sadd.s32 s3, s5;
	[dreg:$0x0] =	wrdreg $0x0  }
0x20: {  	s5 =	sshll.u32 s28, $0x1;
	[dreg:$0x2] =	wrdreg s3  }
0x21: {  	[dreg:$0x3] =	wrdreg s5  }
0x22: {  	[dreg:$0x4] =	wrdreg $0xC0  }
0x23: {  	_ =	task [dreg:s7], $0x5FFFF  }
0x24: {  	[dreg:$0x1] =	wrdreg $0xFFFFFFFF  }
0x25: {  	[dreg:$0x0] =	wrdreg $0x60  }
0x26: {  	[dreg:$0x2] =	wrdreg s2  }
0x27: {  	[dreg:$0x3] =	wrdreg s25  }
0x28: {  	[dreg:$0x4] =	wrdreg $0x9  }
0x29: {  	_ =	task.clear_ibuf [dreg:s7], $0x5FFFF;
	_ =	strace $0x90000046  }
0x2a: {  	s29 =	simm.s32 $0x9;
	_ =	strace $0x80000048  }
0x2b: {  	_ =	swait.ge [sflag:s29], $0x1  }
0x2c: {  	[sflag:s29] =	ssyncadd.s32 $0xFFFFFFFF  }
0x2d: {  	_ =	strace $0x90000048  }
0x2e: {  	_ =	sfence  }
0x2f: {  	s30 =	sld [smem:$0x0];
	_ =	sdelay $0x2  }
0x30: {  	s31 =	sshll.u32 s1, $0xD;
	s1 =	sshrl.u32 s1, $0x2  }
0x31: {  	s3 =	sand.u32 $0x4000, s31;
	s1 =	sadd.s32 s1, s30  }
0x32: {  	s0 =	sor.u32 s3, s0;
	s1 =	sshll.u32 s1, $0x11  }
0x33: {  	s0 =	sor.u32 s1, s0  }
0x34: {  	s0 =	sadd.s32 $0x8F2B, s0  }
0x35: {  	[sflag:s0] =	ssyncadd.remote.s32 $0x1  }
0x36: {  	_ =	sfence.sel $0xFFFF  }
0x37: {  	[dreg:$0x0] =	wrdreg $0xFFFFFFFF;
	(pc) =	sbr.abs _section_cstart, $3  }
0x38: {  	[dreg:$0x1] =	wrdreg $0xFFFFFFFF  }
0x39: {  	_ =	task.clear_ibuf [dreg:s7], $0x2FFFF;
	_ =	strace $0x9FFFFFFF  }
0x3a: {  	(tm) =	ssettm $0x7FFFFFFF  }
0x3b: {  	_ =	shalt  }
tec
execute0_lowered:
.L_overlay_start_1:
0x0: {  	(tag) =	ssettag $0x1  }
0x1: {  	s0 =	stileid.u32;
	s7 =	rddreg [dreg:$0x0]  }
0x2: {  	s1 =	srdreg.scid;
	s4 =	rddreg [dreg:$0x1]  }
0x3: {  	s30 =	simm.s32 $0x2;
	s10 =	simm.s32 $0x0;
	s14 =	simm.s32 $0x0  }
0x4: {  	s15 =	simm.s32 $0x0;
	s11 =	simm.s32 $0x0;
	s13 =	simm.s32 $0x0  }
0x5: {  	s2 =	sand.u32 $0x1, s1;
	s3 =	sshll.u32 s0, $0x7;
	s1 =	rddreg [dreg:$0x2]  }
0x6: {  	_ =	strace $0x80000047;
	s5 =	ssub.s32 $0xC300, s3;
	s6 =	ssub.s32 $0x2, s2  }
.Ltmp0:
0x7: {  	s5 =	sshrl.u32 s5, $0xB;
	s8 =	sshrl.u32 s6, $0x1;
	(pc) =	sbr.rel .LBB1_1-.Ltmp0, $4  }
0x8: {  	s4 =	sadd.s32 $0x1800, s4;
	s9 =	sadd.s32 $0x1, s5;
	s6 =	ssub.s32 s6, s8  }
0x9: {  	s31 =	sshll.u32 s2, $0x4;
	s5 =	simm.s32 $0x1;
	s6 =	smul.u32 s9, s6  }
0xa: {  	s12 =	smov.u32 s3;
	s7 =	sadd.s32 s7, s31;
	[sflag:s5] =	ssyncpa.u1 $0x0  }
0xb: {  	s9 =	simm.s32 $0x0;
	[sflag:s30] =	ssyncpa.u1 $0x0;
	s8 =	sadd.s32 $0x1, s6  }
.LBB1_4:
0xc: {  	s21 =	simm.s32 $0x0  }
.LBB1_8:
0xd: {  	_ =	sdelay $0x3  }
0xe: {  	v6 =	vld [tilespmem:s18+$0xFFFFFFC0];
	[tilespmem:v0+s20+$0x30 ss:$0x1] =	vst.idx.msk @p0 $0xffff, v2  }
0xf: {  	v58 =	vld [tilespmem:s18+$0xFFFFFFD0];
	[tilespmem:v0+s20+$0x40 ss:$0x1] =	vst.idx.msk @p0 $0xffff, v3;
	s21 =	sadd.s32 @p0 $0x80, s21  }
0x10: {  	v59 =	vld [tilespmem:s18+$0xFFFFFFE0];
	[tilespmem:v0+s20+$0x50 ss:$0x1] =	vst.idx.msk @p0 $0xffff, v5;
	s19 =	smov.u32 @p0 s21  }
0x11: {  	v60 =	vld [tilespmem:s18+$0xFFFFFFF0];
	[tilespmem:v0+s20+$0x60 ss:$0x1] =	vst.idx.msk @p0 $0xffff, v4;
	s19 =	sand.u32 $0x3F80, s19  }
0x12: {  	v61 =	vld [tilespmem:s18+$0x0];
	[tilespmem:v0+s19+$0x70 ss:$0x1] =	vst.idx.msk $0xffff, v1  }
0x13: {  	v62 =	vld [tilespmem:s18+$0x10];
	[tilespmem:v0+s19+$0x0 ss:$0x1] =	vst.idx.msk $0xffff, v6  }
0x14: {  	v63 =	vld [tilespmem:s18+$0x20];
	[tilespmem:v0+s19+$0x10 ss:$0x1] =	vst.idx.msk $0xffff, v58  }
0x15: {  	[tilespmem:v0+s19+$0x20 ss:$0x1] =	vst.idx.msk $0xffff, v59  }
0x16: {  	[tilespmem:v0+s19+$0x30 ss:$0x1] =	vst.idx.msk $0xffff, v60  }
0x17: {  	[tilespmem:v0+s19+$0x40 ss:$0x1] =	vst.idx.msk $0xffff, v61  }
0x18: {  	[tilespmem:v0+s19+$0x50 ss:$0x1] =	vst.idx.msk $0xffff, v62  }
0x19: {  	[tilespmem:v0+s19+$0x60 ss:$0x1] =	vst.idx.msk $0xffff, v63  }
.LBB1_9:
0x1a: {  	s18 =	sand.u32 $0x1FFFFFF, s11  }
0x1b: {  	s19 =	smulhi.u32 $0x14F8B59, s18;
	_ =	sdelay $0x1  }
0x1c: {  	s19 =	sshrl.u32 s19, $0x8  }
0x1d: {  	s19 =	smul.u32 $0xC350, s19  }
0x1e: {  	s15 =	smul.u32 $0xC3500, s15  }
0x1f: {  	s18 =	ssub.s32 s18, s19  }
0x20: {  	s15 =	sadd.s32 s4, s15;
	s18 =	sshll.u32 s18, $0x4  }
0x21: {  	s15 =	sadd.s32 s18, s15  }
0x22: {  	[hbm4b:s15+s9] =	stream.linear.scatter [tilespmem:s17], [sflag:$0x2], s16, $0x38;
	[tilespmem:$0x10000] =	vst v63  }
.LBB1_10:
0x23: {  	p0 =	slt.u32 s13, $0x2  }
0x24: {  	p1 =	sgt.s32 @!p0 s14, $0xC2D0  }
0x25: {  	s15 =	smov.u32 s14;
	s16 =	sshra.s32 @!p0 s14, $0x1F;
	p1 =	por !p1, p0  }
0x26: {  	s14 =	sand.u32 @!p0 s16, s14;
	s15 =	simm.s32 @p1 $0xC2D0  }
0x27: {  	s14 =	ssub.s32 @!p0 s15, s14  }
0x28: {  	s14 =	sadd.s32 @!p0 $0xFFFF3D30, s14  }
0x29: {  	s15 =	sshll.u32 @!p0 s14, $0x7  }
0x2a: {  	p1 =	sgt.s32 @!p0 s14, $0x7F;
	s14 =	ssub.s32 @!p0 $0x4000, s15  }
0x2b: {  	s16 =	sadd.s32 $0x800, s12;
	p1 =	por !p1, p0;
	s14 =	sand.u32 @!p0 $0x3FFFFF80, s14  }
0x2c: {  	s14 =	simm.s32 @!p1 $0x0;
	p1 =	sgt.s32 s16, $0xC34F  }
0x2d: {  	s16 =	smov.u32 @p1 s3;
	p1 =	sne.s32 s13, s8  }
.Ltmp1:
0x2e: {  	_ = 	snop;
	(pc) =	sbr.rel @!p1 .LBB1_11-.Ltmp1, $4  }
0x2f: {  	s10 =	sadd.s32 $0x4000, s10;
	s15 =	simm.s32 @!p0 $0x2  }
0x30: {  	_ =	swait.ge @!p0 [sflag:s15], s14;
	s17 =	ssub.s32 @!p0 $0x0, s14;
	s14 =	smov.u32 s11  }
0x31: {  	s13 =	sadd.s32 $0x1, s13;
	s11 =	smov.u32 s12;
	[sflag:s15] =	ssyncset.done @!p0 $0x0  }
0x32: {  	s12 =	smov.u32 s16;
	[sflag:s15] =	ssyncadd.s32 @!p0 s17;
	s15 =	smov.u32 s2  }
.LBB1_1:
0x33: {  	p0 =	sge.u32 s13, s6  }
0x34: {  	p1 =	sgt.s32 @!p0 s12, $0xC2D0  }
0x35: {  	s16 =	smov.u32 s12;
	s17 =	sshra.s32 @!p0 s12, $0x1F;
	p1 =	por !p1, p0  }
0x36: {  	s17 =	sand.u32 @!p0 s17, s12;
	s16 =	simm.s32 @p1 $0xC2D0  }
0x37: {  	s16 =	ssub.s32 @!p0 s16, s17  }
0x38: {  	s31 =	sadd.s32 $0xFFFFFFFF, s13;
	s18 =	sxor.u32 @!p0 $0xFFFFFFFF, s13;
	s16 =	sadd.s32 @!p0 $0xFFFF3D30, s16  }
0x39: {  	s19 =	simm.s32 @!p0 $0x80;
	s20 =	simm.s32 @!p0 $0x100;
	s17 =	sshll.u32 @!p0 s16, $0x7  }
0x3a: {  	p1 =	sgt.s32 @!p0 s16, $0x7F;
	s16 =	ssub.s32 @!p0 $0x4000, s17;
	s17 =	sshll.u32 @!p0 s18, $0xE  }
0x3b: {  	p1 =	por !p1, p0;
	s18 =	sshll.u32 @!p0 s12, $0x5;
	s16 =	sand.u32 @!p0 $0x3FFFFF80, s16  }
0x3c: {  	s17 =	sand.u32 @!p0 $0x4000, s17;
	s18 =	sadd.s32 @!p0 s18, s7;
	s16 =	simm.s32 @!p1 $0x0  }
0x3d: {  	[tilespmem:s17], [sflag:$0x1] =	stream.strided.gather @!p0 [hbm4b:s18+s19], s16, s20, s19, $0x38;
	[tilespmem:$0x10000] =	vst v63  }
0x3e: {  	p0 =	sge.u32 s31, s6  }
.Ltmp2:
0x3f: {  	_ = 	snop;
	(pc) =	sbr.rel @p0 .LBB1_10-.Ltmp2, $1  }
0x40: {  	_ =	sdelay $0x3  }
0x41: {  	p0 =	sgt.s32 s11, $0xC2D0;
	s16 =	smov.u32 s11;
	s17 =	sshra.s32 s11, $0x1F  }
0x42: {  	s16 =	simm.s32 @!p0 $0xC2D0;
	s17 =	sand.u32 s17, s11  }
0x43: {  	s16 =	ssub.s32 s16, s17  }
0x44: {  	s16 =	sadd.s32 $0xFFFF3D30, s16  }
0x45: {  	s30 =	sshll.u32 s16, $0x7  }
0x46: {  	s17 =	ssub.s32 $0x4000, s30  }
0x47: {  	p0 =	sgt.s32 s16, $0x7F;
	s16 =	sand.u32 $0x3FFFFF80, s17;
	s17 =	sadd.s32 $0x80, s11  }
0x48: {  	s16 =	simm.s32 @p0 $0x0;
	p0 =	slt.s32 s17, $0xC350  }
0x49: {  	s17 =	simm.s32 @!p0 $0xC350  }
0x4a: {  	s20 =	ssub.s32 s17, s11  }
0x4b: {  	p0 =	slt.s32 s20, $0x1  }
.Ltmp3:
0x4c: {  	_ = 	snop;
	(pc) =	sbr.rel @p0 .LBB1_9-.Ltmp3, $4  }
0x4d: {  	_ = 	snop  }
0x4e: {  	s19 =	sshll.u32 s13, $0xE;
	_ =	swait.ge [sflag:s5], s16  }
0x4f: {  	s31 =	sand.u32 $0x4000, s19;
	s18 =	ssub.s32 $0x0, s16;
	[sflag:s5] =	ssyncset.done $0x0  }
0x50: {  	s17 =	sor.u32 $0x8000, s31;
	[sflag:s5] =	ssyncadd.s32 s18  }
0x51: {  	p1 =	sne.s32 s20, $0x1  }
.Ltmp4:
0x52: {  	v0 =	vmov s17;
	(pc) =	sbr.rel @!p1 .LBB1_4-.Ltmp4, $4  }
0x53: {  	_ = 	snop  }
0x54: {  	s18 =	sand.u32 $0x4000, s10  }
0x55: {  	s18 =	sor.u32 $0x40, s18  }
0x56: {  	s19 =	simm.s32 $0x0;
	s21 =	sadd.s32 $0xFFFFFFFF, s20;
	p0 =	por $0x0, $0x0;
	v1 =	vld [tilespmem:s18+$0x30]  }
0x57: {  	v4 =	vld [tilespmem:s18+$0xFFFFFFC0]  }
0x58: {  	v6 =	vld [tilespmem:s18+$0xFFFFFFD0]  }
0x59: {  	v7 =	vld [tilespmem:s18+$0xFFFFFFE0];
	p1 =	sne.s32 s21, $0x1  }
.Ltmp5:
0x5a: {  	v2 =	vld [tilespmem:s18+$0xFFFFFFF0];
	s20 =	sand.u32 $0x3F80, s19;
	(pc) =	sbr.rel @!p1 .LBB1_6-.Ltmp5, $4  }
0x5b: {  	v3 =	vld [tilespmem:s18+$0x0];
	[tilespmem:v0+s20+$0x70 ss:$0x1] =	vst.idx.msk $0xffff, v1  }
0x5c: {  	v5 =	vld [tilespmem:s18+$0x10];
	[tilespmem:v0+s20+$0x0 ss:$0x1] =	vst.idx.msk $0xffff, v4  }
0x5d: {  	v4 =	vld [tilespmem:s18+$0x20];
	[tilespmem:v0+s20+$0x10 ss:$0x1] =	vst.idx.msk $0xffff, v6;
	s18 =	sadd.s32 $0x80, s18  }
0x5e: {  	s22 =	sadd.s32 $0xFFFFFFFF, s21;
	p0 =	por $0x1, $0x1;
	s21 =	simm.s32 $0x0;
	[tilespmem:v0+s20+$0x20 ss:$0x1] =	vst.idx.msk $0xffff, v7;
	v1 =	vld [tilespmem:s18+$0x30]  }
.LBB1_7:
0x5f: {  	p1 =	sne.s32 s22, $0x1;
	v6 =	vld [tilespmem:s18+$0xFFFFFFC0];
	[tilespmem:v0+s20+$0x30 ss:$0x1] =	vst.idx.msk $0xffff, v2  }
0x60: {  	v7 =	vld [tilespmem:s18+$0xFFFFFFD0];
	[tilespmem:v0+s20+$0x40 ss:$0x1] =	vst.idx.msk $0xffff, v3  }
0x61: {  	s21 =	sadd.s32 $0x80, s21;
	v8 =	vld [tilespmem:s18+$0xFFFFFFE0];
	[tilespmem:v0+s20+$0x50 ss:$0x1] =	vst.idx.msk $0xffff, v5  }
.Ltmp6:
0x62: {  	v2 =	vld [tilespmem:s18+$0xFFFFFFF0];
	[tilespmem:v0+s20+$0x60 ss:$0x1] =	vst.idx.msk $0xffff, v4;
	s20 =	sand.u32 $0x3F80, s21;
	(pc) =	sbr.rel @p1 .LBB1_7-.Ltmp6, $4  }
0x63: {  	v3 =	vld [tilespmem:s18+$0x0];
	[tilespmem:v0+s20+$0x70 ss:$0x1] =	vst.idx.msk $0xffff, v1  }
0x64: {  	[tilespmem:v0+s20+$0x0 ss:$0x1] =	vst.idx.msk $0xffff, v6;
	v5 =	vld [tilespmem:s18+$0x10]  }
0x65: {  	[tilespmem:v0+s20+$0x10 ss:$0x1] =	vst.idx.msk $0xffff, v7;
	v4 =	vld [tilespmem:s18+$0x20];
	s18 =	sadd.s32 $0x80, s18  }
0x66: {  	s22 =	sadd.s32 $0xFFFFFFFF, s22;
	v1 =	vld [tilespmem:s18+$0x30];
	[tilespmem:v0+s20+$0x20 ss:$0x1] =	vst.idx.msk $0xffff, v8  }
.Ltmp7:
0x67: {  	_ = 	snop;
	(pc) =	sbr.rel .LBB1_8-.Ltmp7, $1  }
0x68: {  	_ =	sdelay $0x3  }
.LBB1_6:
.Ltmp8:
0x69: {  	(pc) =	sbr.rel .LBB1_8-.Ltmp8, $2  }
0x6a: {  	_ =	sdelay $0x2  }
0x6b: {  	s21 =	simm.s32 $0x0  }
.LBB1_11:
0x6c: {  	_ =	sfence.sel $0x180000  }
0x6d: {  	s2 =	simm.s32 $0x1;
	[bflag:$0x0] =	sbarrier.arrive $0xFFFF  }
0x6e: {  	s31 =	simm.s32 $0x2;
	[sflag:s2] =	ssyncpa.u1 $0x1  }
0x6f: {  	[sflag:s31] =	ssyncpa.u1 $0x1  }
0x70: {  	p0 =	sne.s32 s0, $0x0;
	_ =	strace $0x90000047  }
0x71: {  	s0 =	sadd.s32 @!p0 $0x100000, s1;
	[bflag:$0x2] =	sbarrier.arrive $0xFFFF  }
0x72: {  	[sflag:s0] =	ssyncadd.tile.s32 @!p0 $0x1;
	_ =	shalt  }
.Lfunc_end1:
_tile_overlayer_lowered:
.L_overlay_start_2:
0x73: {  	(tag) =	ssettag $0x2  }
0x74: {  	s0 =	rddreg [dreg:$0x0];
	s2 =	stileid.u32  }
0x75: {  	s1 =	rddreg [dreg:$0x1];
	p0 =	sne.s32 s2, $0x0  }
0x76: {  	s3 =	rddreg [dreg:$0x2];
	[bflag:$0x3] =	sbarrier.arrive $0xFFFF;
	s2 =	simm.s32 @!p0 $0x1C01  }
0x77: {  	[timem:s3], [sflag:s2] =	dma.local @!p0 [hbm:s0], s1  }
0x78: {  	s0 =	simm.s32 @!p0 $0x1  }
0x79: {  	_ =	swait.ge @!p0 [sflag:s0], s1  }
0x7a: {  	s1 =	ssub.s32 @!p0 $0x0, s1;
	[sflag:s0] =	ssyncset.done @!p0 $0x0  }
0x7b: {  	[sflag:s0] =	ssyncadd.s32 @!p0 s1  }
0x7c: {  	[bflag:$0x3] =	sbarrier.arrive $0xFFFF  }
0x7d: {  	_ =	shalt  }

</sc_bundles>
